<compile_context>
chip_gen: v7x
topology: tpu7x:2x2x1
jax: 0.10.2.dev20260603
libtpu: 0.0.44.dev20260713+nightly
codegen_flags: <defaults>
</compile_context>

<pallas_src>
import functools

import jax
import jax.numpy as jnp
from jax import lax
from jax.experimental import pallas as pl
from jax.experimental.pallas import tpu as pltpu
from jax.experimental.pallas import tpu_sc as plsc

F32 = jnp.float32

_NUM_FEAT = 100000
_EMB_DIM = 128
_BATCH = 16384
_FIELDS = 100
_MAX_NORM = 1.0

_NC, _NS, _L = 2, 16, 16
_NBUF = 4
_NW = _NC * _NS
_BPW = _BATCH // _NW
_DV = _EMB_DIM // _L



def _norm_body(t_ref, o_ref):
    t = t_ref[...]
    nsq = jnp.sum(t * t, axis=1, keepdims=True)
    norm = jnp.sqrt(nsq)
    scale = jnp.minimum(1.0, _MAX_NORM / jnp.maximum(norm, 1e-7))
    o_ref[...] = t * scale


def _normalize_table(table):
    rows_per_blk = 10000
    grid = _NUM_FEAT // rows_per_blk
    return pl.pallas_call(
        _norm_body,
        grid=(grid,),
        in_specs=[pl.BlockSpec((rows_per_blk, _EMB_DIM), lambda i: (i, 0))],
        out_specs=pl.BlockSpec((rows_per_blk, _EMB_DIM), lambda i: (i, 0)),
        out_shape=jax.ShapeDtypeStruct((_NUM_FEAT, _EMB_DIM), F32),
    )(table)



_MESH = plsc.VectorSubcoreMesh(core_axis_name="c", subcore_axis_name="s")


@functools.partial(
    pl.kernel,
    out_type=jax.ShapeDtypeStruct((_BATCH,), F32),
    mesh=_MESH,
    scratch_types=[
        pltpu.VMEM((_BPW, 128), jnp.int32),
        pltpu.VMEM((_FIELDS, _EMB_DIM), F32),
        pltpu.VMEM((_FIELDS, _EMB_DIM), F32),
        pltpu.VMEM((_FIELDS, _EMB_DIM), F32),
        pltpu.VMEM((_FIELDS, _EMB_DIM), F32),
        pltpu.VMEM((_BPW,), F32),
        pltpu.SemaphoreType.DMA,
        pltpu.SemaphoreType.DMA,
        pltpu.SemaphoreType.DMA,
        pltpu.SemaphoreType.DMA,
    ],
    compiler_params=pltpu.CompilerParams(needs_layout_passes=False),
)
def _fm_sc(tn_hbm, x_hbm, out_hbm, idx_v, buf0, buf1, buf2, buf3, out_v,
           sem0, sem1, sem2, sem3):
    wid = lax.axis_index("s") * _NC + lax.axis_index("c")
    base = wid * _BPW

    pltpu.sync_copy(x_hbm.at[pl.ds(base, _BPW)], idx_v)

    def start_gather(g, buf, sem):
        pltpu.async_copy(tn_hbm.at[idx_v.at[g, pl.ds(0, _FIELDS)]], buf, sem)

    def wait_gather(g, buf, sem):
        pltpu.make_async_copy(
            tn_hbm.at[idx_v.at[g, pl.ds(0, _FIELDS)]], buf, sem
        ).wait()

    def do_elem(g, buf, sem):
        wait_gather(g, buf, sem)

        def fbody(f, c):
            accs = list(c)
            t_acc = accs[_DV]
            for d in range(_DV):
                v = buf[f, pl.ds(_L * d, _L)]
                accs[d] = accs[d] + v
                t_acc = t_acc + v * v
            accs[_DV] = t_acc
            return tuple(accs)

        zero = jnp.zeros((_L,), F32)
        c = lax.fori_loop(0, _FIELDS, fbody, (zero,) * (_DV + 1), unroll=4)

        ssq = c[0] * c[0]
        for d in range(1, _DV):
            ssq = ssq + c[d] * c[d]
        tot = plsc.cumsum(0.5 * (ssq - c[_DV]))
        lane = lax.iota(jnp.int32, _L)
        plsc.store_scatter(
            out_v,
            [jnp.full((_L,), g, jnp.int32)],
            tot,
            mask=lane == (_L - 1),
        )

        @pl.when(g + _NBUF < _BPW)
        def _():
            start_gather(g + _NBUF, buf, sem)

    bufs = (buf0, buf1, buf2, buf3)
    sems = (sem0, sem1, sem2, sem3)
    for b in range(_NBUF):
        start_gather(b, bufs[b], sems[b])

    def body(i, carry):
        g = i * _NBUF
        for b in range(_NBUF):
            do_elem(g + b, bufs[b], sems[b])
        return carry

    lax.fori_loop(0, _BPW // _NBUF, body, 0)

    pltpu.sync_copy(out_v, out_hbm.at[pl.ds(base, _BPW)])



@jax.jit
def kernel(x, table):
    tn = _normalize_table(table)
    x_pad = jnp.pad(x, ((0, 0), (0, 128 - _FIELDS)))
    return _fm_sc(tn, x_pad).reshape(_BATCH, 1)

# --- scband reference (transcript-rebuilt; emitter-appended) ---
"""Pipeline reference for scband-fm-emb-32985348833608 (READ-ONLY COPY).

The authoritative reference and input builder live on the scoring server;
editing this copy changes nothing except your own understanding.
"""

import jax, jax.numpy as jnp
import numpy as np

NUM_FEAT = 100000
EMB_DIM = 128
BATCH = 16384
FIELDS = 100
MAX_NORM = 1.0


def setup_inputs(seed: int = 0) -> dict:
    key = jax.random.key(seed)
    k1, k2 = jax.random.split(key)
    x = jax.random.randint(k1, (BATCH, FIELDS), 0, NUM_FEAT, dtype=jnp.int32)
    table = jax.random.normal(k2, (NUM_FEAT, EMB_DIM), dtype=jnp.float32)
    return {"x": x, "table": table}


def reference(x, table):
    # Embedding lookup (gather rows)
    emb = jnp.take(table, x, axis=0)  # [B, F, D]
    # Emulate nn.Embedding(max_norm=1): renormalize looked-up rows whose L2 norm > 1
    norms = jnp.linalg.norm(emb, axis=-1, keepdims=True)
    scale = jnp.minimum(1.0, MAX_NORM / jnp.maximum(norms, 1e-7))
    emb = emb * scale
    # FM second-order cross term
    a = jnp.sum(emb, axis=1) ** 2          # [B, D]
    b = jnp.sum(emb ** 2, axis=1)          # [B, D]
    out = 0.5 * jnp.sum(a - b, axis=1, keepdims=True)  # [B, 1]
    return out

if __name__ == "__main__":
    import jax
    _d = setup_inputs()
    print(jax.jit(kernel)(*tuple(_d.values())))

</pallas_src>

<mosaic_0001>
#map = affine_map<(d0, d1) -> (0, 0)>
#map1 = affine_map<(d0, d1) -> (0)>
module attributes {stable_mosaic.version = 14 : i64} {
  func.func @_fm_sc(%arg0: i32, %arg1: i32, %arg2: memref<100000x128xf32, #tpu.memory_space<hbm>>, %arg3: memref<16384x128xi32, #tpu.memory_space<hbm>>, %arg4: memref<16384xf32, #tpu.memory_space<hbm>>, %arg5: memref<512x128xi32, #tpu.memory_space<vmem>>, %arg6: memref<100x128xf32, #tpu.memory_space<vmem>>, %arg7: memref<100x128xf32, #tpu.memory_space<vmem>>, %arg8: memref<100x128xf32, #tpu.memory_space<vmem>>, %arg9: memref<100x128xf32, #tpu.memory_space<vmem>>, %arg10: memref<512xf32, #tpu.memory_space<vmem>>, %arg11: memref<!tpu.dma_semaphore, #tpu.memory_space<semaphore_mem>>, %arg12: memref<!tpu.dma_semaphore, #tpu.memory_space<semaphore_mem>>, %arg13: memref<!tpu.dma_semaphore, #tpu.memory_space<semaphore_mem>>, %arg14: memref<!tpu.dma_semaphore, #tpu.memory_space<semaphore_mem>>) attributes {dimension_semantics = [#tpu.dimension_semantics<core_parallel>, #tpu.dimension_semantics<subcore_parallel>], iteration_bounds = array<i64: 2, 16>, scalar_prefetch = 0 : i64, scratch_operands = 10 : i64, tpu.core_type = #tpu.core_type<sc_vector_subcore>, window_params = [{transform_indices = #map}, {transform_indices = #map}, {transform_indices = #map1}]} {
    %mul3A = arith.constant 2 : i32
    %mul3A_0 = arith.muli %arg1, %mul3A : i32
    %add3A = arith.addi %mul3A_0, %arg0 : i32
    %mul3A_1 = arith.constant 512 : i32
    %mul3A_2 = arith.muli %add3A, %mul3A_1 : i32
    "tpu.region"() ({
      %run_scoped3A = tpu.sem_alloc : memref<!tpu.dma_semaphore, #tpu.memory_space<semaphore_mem>>
      %dma_start3A_35 = arith.constant 0 : i32
      %dma_start3A_36 = tpu.memref_slice %arg3[%mul3A_2, %dma_start3A_35] : memref<16384x128xi32, #tpu.memory_space<hbm>> -> memref<512x128xi32, #tpu.memory_space<hbm>>
      %dma_start3A_37 = arith.constant 0 : i32
      %dma_start3A_38 = tpu.memref_slice %arg3[%mul3A_2, %dma_start3A_37] : memref<16384x128xi32, #tpu.memory_space<hbm>> -> memref<512x128xi32, #tpu.memory_space<hbm>>
      tpu.enqueue_dma source(%dma_start3A_38 : memref<512x128xi32, #tpu.memory_space<hbm>>) target(%arg5 : memref<512x128xi32, #tpu.memory_space<vmem>>) target_semaphore(%run_scoped3A : memref<!tpu.dma_semaphore, #tpu.memory_space<semaphore_mem>>)
      %dma_wait3A = arith.constant 0 : i32
      %dma_wait3A_39 = tpu.memref_slice %arg3[%mul3A_2, %dma_wait3A] : memref<16384x128xi32, #tpu.memory_space<hbm>> -> memref<512x128xi32, #tpu.memory_space<hbm>>
      %dma_wait3A_40 = arith.constant 0 : i32
      %dma_wait3A_41 = tpu.memref_slice %arg3[%mul3A_2, %dma_wait3A_40] : memref<16384x128xi32, #tpu.memory_space<hbm>> -> memref<512x128xi32, #tpu.memory_space<hbm>>
      tpu.wait_dma2 semaphore(%run_scoped3A : memref<!tpu.dma_semaphore, #tpu.memory_space<semaphore_mem>>) src(%dma_wait3A_41 : memref<512x128xi32, #tpu.memory_space<hbm>>) dst(%arg5 : memref<512x128xi32, #tpu.memory_space<vmem>>)
      tpu.yield
    }) : () -> ()
    %dma_start3A = arith.constant 0 : i32
    %dma_start3A_3 = arith.constant 0 : i32
    %dma_start3A_4 = tpu.memref_slice %arg5[%dma_start3A, %dma_start3A_3] : memref<512x128xi32, #tpu.memory_space<vmem>> -> memref<1x100xi32, #tpu.memory_space<vmem>>
    %dma_start3A_5 = tpu.memref_squeeze %dma_start3A_4 : memref<1x100xi32, #tpu.memory_space<vmem>> -> memref<100xi32, #tpu.memory_space<vmem>>
    %dma_start3A_6 = arith.constant 0 : i32
    %dma_start3A_7 = arith.constant 0 : i32
    %dma_start3A_8 = tpu.memref_slice %arg2[%dma_start3A_6, %dma_start3A_7] : memref<100000x128xf32, #tpu.memory_space<hbm>> -> memref<100000x128xf32, #tpu.memory_space<hbm>>
    tpu.enqueue_indirect_dma source(%dma_start3A_8 : memref<100000x128xf32, #tpu.memory_space<hbm>>) target(%arg6 : memref<100x128xf32, #tpu.memory_space<vmem>>) offsets(%dma_start3A_5 : memref<100xi32, #tpu.memory_space<vmem>>) semaphore(%arg11 : memref<!tpu.dma_semaphore, #tpu.memory_space<semaphore_mem>>)
    %dma_start3A_9 = arith.constant 1 : i32
    %dma_start3A_10 = arith.constant 0 : i32
    %dma_start3A_11 = tpu.memref_slice %arg5[%dma_start3A_9, %dma_start3A_10] : memref<512x128xi32, #tpu.memory_space<vmem>> -> memref<1x100xi32, #tpu.memory_space<vmem>>
    %dma_start3A_12 = tpu.memref_squeeze %dma_start3A_11 : memref<1x100xi32, #tpu.memory_space<vmem>> -> memref<100xi32, #tpu.memory_space<vmem>>
    %dma_start3A_13 = arith.constant 0 : i32
    %dma_start3A_14 = arith.constant 0 : i32
    %dma_start3A_15 = tpu.memref_slice %arg2[%dma_start3A_13, %dma_start3A_14] : memref<100000x128xf32, #tpu.memory_space<hbm>> -> memref<100000x128xf32, #tpu.memory_space<hbm>>
    tpu.enqueue_indirect_dma source(%dma_start3A_15 : memref<100000x128xf32, #tpu.memory_space<hbm>>) target(%arg7 : memref<100x128xf32, #tpu.memory_space<vmem>>) offsets(%dma_start3A_12 : memref<100xi32, #tpu.memory_space<vmem>>) semaphore(%arg12 : memref<!tpu.dma_semaphore, #tpu.memory_space<semaphore_mem>>)
    %dma_start3A_16 = arith.constant 2 : i32
    %dma_start3A_17 = arith.constant 0 : i32
    %dma_start3A_18 = tpu.memref_slice %arg5[%dma_start3A_16, %dma_start3A_17] : memref<512x128xi32, #tpu.memory_space<vmem>> -> memref<1x100xi32, #tpu.memory_space<vmem>>
    %dma_start3A_19 = tpu.memref_squeeze %dma_start3A_18 : memref<1x100xi32, #tpu.memory_space<vmem>> -> memref<100xi32, #tpu.memory_space<vmem>>
    %dma_start3A_20 = arith.constant 0 : i32
    %dma_start3A_21 = arith.constant 0 : i32
    %dma_start3A_22 = tpu.memref_slice %arg2[%dma_start3A_20, %dma_start3A_21] : memref<100000x128xf32, #tpu.memory_space<hbm>> -> memref<100000x128xf32, #tpu.memory_space<hbm>>
    tpu.enqueue_indirect_dma source(%dma_start3A_22 : memref<100000x128xf32, #tpu.memory_space<hbm>>) target(%arg8 : memref<100x128xf32, #tpu.memory_space<vmem>>) offsets(%dma_start3A_19 : memref<100xi32, #tpu.memory_space<vmem>>) semaphore(%arg13 : memref<!tpu.dma_semaphore, #tpu.memory_space<semaphore_mem>>)
    %dma_start3A_23 = arith.constant 3 : i32
    %dma_start3A_24 = arith.constant 0 : i32
    %dma_start3A_25 = tpu.memref_slice %arg5[%dma_start3A_23, %dma_start3A_24] : memref<512x128xi32, #tpu.memory_space<vmem>> -> memref<1x100xi32, #tpu.memory_space<vmem>>
    %dma_start3A_26 = tpu.memref_squeeze %dma_start3A_25 : memref<1x100xi32, #tpu.memory_space<vmem>> -> memref<100xi32, #tpu.memory_space<vmem>>
    %dma_start3A_27 = arith.constant 0 : i32
    %dma_start3A_28 = arith.constant 0 : i32
    %dma_start3A_29 = tpu.memref_slice %arg2[%dma_start3A_27, %dma_start3A_28] : memref<100000x128xf32, #tpu.memory_space<hbm>> -> memref<100000x128xf32, #tpu.memory_space<hbm>>
    tpu.enqueue_indirect_dma source(%dma_start3A_29 : memref<100000x128xf32, #tpu.memory_space<hbm>>) target(%arg9 : memref<100x128xf32, #tpu.memory_space<vmem>>) offsets(%dma_start3A_26 : memref<100xi32, #tpu.memory_space<vmem>>) semaphore(%arg14 : memref<!tpu.dma_semaphore, #tpu.memory_space<semaphore_mem>>)
    %scan3A = arith.constant 0 : i32
    %scan3A_30 = arith.constant 0 : i32
    %scan3A_31 = arith.constant 128 : i32
    %scan3A_32 = arith.addi %scan3A_30, %scan3A_31 : i32
    %scan3A_33 = arith.constant 1 : i32
    scf.for %scan3A_35 = %scan3A_30 to %scan3A_32 step %scan3A_33  : i32 {
      %mul3A_36 = arith.constant 4 : i32
      %mul3A_37 = arith.muli %scan3A_35, %mul3A_36 : i32
      %add3A_38 = arith.constant 0 : i32
      %add3A_39 = arith.addi %mul3A_37, %add3A_38 : i32
      %dma_wait3A = arith.constant 0 : i32
      %dma_wait3A_40 = tpu.memref_slice %arg5[%add3A_39, %dma_wait3A] : memref<512x128xi32, #tpu.memory_space<vmem>> -> memref<1x100xi32, #tpu.memory_space<vmem>>
      %dma_wait3A_41 = tpu.memref_squeeze %dma_wait3A_40 : memref<1x100xi32, #tpu.memory_space<vmem>> -> memref<100xi32, #tpu.memory_space<vmem>>
      %dma_wait3A_42 = arith.constant 0 : i32
      %dma_wait3A_43 = arith.constant 0 : i32
      %dma_wait3A_44 = tpu.memref_slice %arg2[%dma_wait3A_42, %dma_wait3A_43] : memref<100000x128xf32, #tpu.memory_space<hbm>> -> memref<100000x128xf32, #tpu.memory_space<hbm>>
      tpu.wait_indirect_dma semaphore(%arg11 : memref<!tpu.dma_semaphore, #tpu.memory_space<semaphore_mem>>) src(%dma_wait3A_44 : memref<100000x128xf32, #tpu.memory_space<hbm>>) dst(%arg6 : memref<100x128xf32, #tpu.memory_space<vmem>>)
      %broadcast_in_dim3A = arith.constant 0.000000e+00 : f32
      %broadcast_in_dim3A_45 = vector.broadcast %broadcast_in_dim3A : f32 to vector<16xf32>
      %scan3A_46 = arith.constant 0 : i32
      %scan3A_47 = arith.constant 100 : i32
      %scan3A_48 = arith.addi %scan3A_46, %scan3A_47 : i32
      %scan3A_49 = arith.constant 4 : i32
      %scan3A_50:9 = scf.for %scan3A_229 = %scan3A_46 to %scan3A_48 step %scan3A_49 iter_args(%scan3A_230 = %broadcast_in_dim3A_45, %scan3A_231 = %broadcast_in_dim3A_45, %scan3A_232 = %broadcast_in_dim3A_45, %scan3A_233 = %broadcast_in_dim3A_45, %scan3A_234 = %broadcast_in_dim3A_45, %scan3A_235 = %broadcast_in_dim3A_45, %scan3A_236 = %broadcast_in_dim3A_45, %scan3A_237 = %broadcast_in_dim3A_45, %scan3A_238 = %broadcast_in_dim3A_45) -> (vector<16xf32>, vector<16xf32>, vector<16xf32>, vector<16xf32>, vector<16xf32>, vector<16xf32>, vector<16xf32>, vector<16xf32>, vector<16xf32>)  : i32 {
        %get3A = arith.index_cast %scan3A_229 : i32 to index
        %get3A_239 = arith.constant 0 : index
        %get3A_240 = tpu.vector_load %arg6[%get3A, %get3A_239] {strides = array<i32>} : memref<100x128xf32, #tpu.memory_space<vmem>>, vector<16xf32>,
        %add3A_241 = arith.addf %scan3A_230, %get3A_240 : vector<16xf32>
        %mul3A_242 = arith.mulf %get3A_240, %get3A_240 : vector<16xf32>
        %add3A_243 = arith.addf %scan3A_238, %mul3A_242 : vector<16xf32>
        %get3A_244 = arith.index_cast %scan3A_229 : i32 to index
        %get3A_245 = arith.constant 16 : index
        %get3A_246 = tpu.vector_load %arg6[%get3A_244, %get3A_245] {strides = array<i32>} : memref<100x128xf32, #tpu.memory_space<vmem>>, vector<16xf32>,
        %add3A_247 = arith.addf %scan3A_231, %get3A_246 : vector<16xf32>
        %mul3A_248 = arith.mulf %get3A_246, %get3A_246 : vector<16xf32>
        %add3A_249 = arith.addf %add3A_243, %mul3A_248 : vector<16xf32>
        %get3A_250 = arith.index_cast %scan3A_229 : i32 to index
        %get3A_251 = arith.constant 32 : index
        %get3A_252 = tpu.vector_load %arg6[%get3A_250, %get3A_251] {strides = array<i32>} : memref<100x128xf32, #tpu.memory_space<vmem>>, vector<16xf32>,
        %add3A_253 = arith.addf %scan3A_232, %get3A_252 : vector<16xf32>
        %mul3A_254 = arith.mulf %get3A_252, %get3A_252 : vector<16xf32>
        %add3A_255 = arith.addf %add3A_249, %mul3A_254 : vector<16xf32>
        %get3A_256 = arith.index_cast %scan3A_229 : i32 to index
        %get3A_257 = arith.constant 48 : index
        %get3A_258 = tpu.vector_load %arg6[%get3A_256, %get3A_257] {strides = array<i32>} : memref<100x128xf32, #tpu.memory_space<vmem>>, vector<16xf32>,
        %add3A_259 = arith.addf %scan3A_233, %get3A_258 : vector<16xf32>
        %mul3A_260 = arith.mulf %get3A_258, %get3A_258 : vector<16xf32>
        %add3A_261 = arith.addf %add3A_255, %mul3A_260 : vector<16xf32>
        %get3A_262 = arith.index_cast %scan3A_229 : i32 to index
        %get3A_263 = arith.constant 64 : index
        %get3A_264 = tpu.vector_load %arg6[%get3A_262, %get3A_263] {strides = array<i32>} : memref<100x128xf32, #tpu.memory_space<vmem>>, vector<16xf32>,
        %add3A_265 = arith.addf %scan3A_234, %get3A_264 : vector<16xf32>
        %mul3A_266 = arith.mulf %get3A_264, %get3A_264 : vector<16xf32>
        %add3A_267 = arith.addf %add3A_261, %mul3A_266 : vector<16xf32>
        %get3A_268 = arith.index_cast %scan3A_229 : i32 to index
        %get3A_269 = arith.constant 80 : index
        %get3A_270 = tpu.vector_load %arg6[%get3A_268, %get3A_269] {strides = array<i32>} : memref<100x128xf32, #tpu.memory_space<vmem>>, vector<16xf32>,
        %add3A_271 = arith.addf %scan3A_235, %get3A_270 : vector<16xf32>
        %mul3A_272 = arith.mulf %get3A_270, %get3A_270 : vector<16xf32>
        %add3A_273 = arith.addf %add3A_267, %mul3A_272 : vector<16xf32>
        %get3A_274 = arith.index_cast %scan3A_229 : i32 to index
        %get3A_275 = arith.constant 96 : index
        %get3A_276 = tpu.vector_load %arg6[%get3A_274, %get3A_275] {strides = array<i32>} : memref<100x128xf32, #tpu.memory_space<vmem>>, vector<16xf32>,
        %add3A_277 = arith.addf %scan3A_236, %get3A_276 : vector<16xf32>
        %mul3A_278 = arith.mulf %get3A_276, %get3A_276 : vector<16xf32>
        %add3A_279 = arith.addf %add3A_273, %mul3A_278 : vector<16xf32>
        %get3A_280 = arith.index_cast %scan3A_229 : i32 to index
        %get3A_281 = arith.constant 112 : index
        %get3A_282 = tpu.vector_load %arg6[%get3A_280, %get3A_281] {strides = array<i32>} : memref<100x128xf32, #tpu.memory_space<vmem>>, vector<16xf32>,
        %add3A_283 = arith.addf %scan3A_237, %get3A_282 : vector<16xf32>
        %mul3A_284 = arith.mulf %get3A_282, %get3A_282 : vector<16xf32>
        %add3A_285 = arith.addf %add3A_279, %mul3A_284 : vector<16xf32>
        %scan3A_286 = arith.constant 1 : i32
        %scan3A_287 = arith.addi %scan3A_229, %scan3A_286 : i32
        %get3A_288 = arith.index_cast %scan3A_287 : i32 to index
        %get3A_289 = arith.constant 0 : index
        %get3A_290 = tpu.vector_load %arg6[%get3A_288, %get3A_289] {strides = array<i32>} : memref<100x128xf32, #tpu.memory_space<vmem>>, vector<16xf32>,
        %add3A_291 = arith.addf %add3A_241, %get3A_290 : vector<16xf32>
        %mul3A_292 = arith.mulf %get3A_290, %get3A_290 : vector<16xf32>
        %add3A_293 = arith.addf %add3A_285, %mul3A_292 : vector<16xf32>
        %get3A_294 = arith.index_cast %scan3A_287 : i32 to index
        %get3A_295 = arith.constant 16 : index
        %get3A_296 = tpu.vector_load %arg6[%get3A_294, %get3A_295] {strides = array<i32>} : memref<100x128xf32, #tpu.memory_space<vmem>>, vector<16xf32>,
        %add3A_297 = arith.addf %add3A_247, %get3A_296 : vector<16xf32>
        %mul3A_298 = arith.mulf %get3A_296, %get3A_296 : vector<16xf32>
        %add3A_299 = arith.addf %add3A_293, %mul3A_298 : vector<16xf32>
        %get3A_300 = arith.index_cast %scan3A_287 : i32 to index
        %get3A_301 = arith.constant 32 : index
        %get3A_302 = tpu.vector_load %arg6[%get3A_300, %get3A_301] {strides = array<i32>} : memref<100x128xf32, #tpu.memory_space<vmem>>, vector<16xf32>,
        %add3A_303 = arith.addf %add3A_253, %get3A_302 : vector<16xf32>
        %mul3A_304 = arith.mulf %get3A_302, %get3A_302 : vector<16xf32>
        %add3A_305 = arith.addf %add3A_299, %mul3A_304 : vector<16xf32>
        %get3A_306 = arith.index_cast %scan3A_287 : i32 to index
        %get3A_307 = arith.constant 48 : index
        %get3A_308 = tpu.vector_load %arg6[%get3A_306, %get3A_307] {strides = array<i32>} : memref<100x128xf32, #tpu.memory_space<vmem>>, vector<16xf32>,
        %add3A_309 = arith.addf %add3A_259, %get3A_308 : vector<16xf32>
        %mul3A_310 = arith.mulf %get3A_308, %get3A_308 : vector<16xf32>
        %add3A_311 = arith.addf %add3A_305, %mul3A_310 : vector<16xf32>
        %get3A_312 = arith.index_cast %scan3A_287 : i32 to index
        %get3A_313 = arith.constant 64 : index
        %get3A_314 = tpu.vector_load %arg6[%get3A_312, %get3A_313] {strides = array<i32>} : memref<100x128xf32, #tpu.memory_space<vmem>>, vector<16xf32>,
        %add3A_315 = arith.addf %add3A_265, %get3A_314 : vector<16xf32>
        %mul3A_316 = arith.mulf %get3A_314, %get3A_314 : vector<16xf32>
        %add3A_317 = arith.addf %add3A_311, %mul3A_316 : vector<16xf32>
        %get3A_318 = arith.index_cast %scan3A_287 : i32 to index
        %get3A_319 = arith.constant 80 : index
        %get3A_320 = tpu.vector_load %arg6[%get3A_318, %get3A_319] {strides = array<i32>} : memref<100x128xf32, #tpu.memory_space<vmem>>, vector<16xf32>,
        %add3A_321 = arith.addf %add3A_271, %get3A_320 : vector<16xf32>
        %mul3A_322 = arith.mulf %get3A_320, %get3A_320 : vector<16xf32>
        %add3A_323 = arith.addf %add3A_317, %mul3A_322 : vector<16xf32>
        %get3A_324 = arith.index_cast %scan3A_287 : i32 to index
        %get3A_325 = arith.constant 96 : index
        %get3A_326 = tpu.vector_load %arg6[%get3A_324, %get3A_325] {strides = array<i32>} : memref<100x128xf32, #tpu.memory_space<vmem>>, vector<16xf32>,
        %add3A_327 = arith.addf %add3A_277, %get3A_326 : vector<16xf32>
        %mul3A_328 = arith.mulf %get3A_326, %get3A_326 : vector<16xf32>
        %add3A_329 = arith.addf %add3A_323, %mul3A_328 : vector<16xf32>
        %get3A_330 = arith.index_cast %scan3A_287 : i32 to index
        %get3A_331 = arith.constant 112 : index
        %get3A_332 = tpu.vector_load %arg6[%get3A_330, %get3A_331] {strides = array<i32>} : memref<100x128xf32, #tpu.memory_space<vmem>>, vector<16xf32>,
        %add3A_333 = arith.addf %add3A_283, %get3A_332 : vector<16xf32>
        %mul3A_334 = arith.mulf %get3A_332, %get3A_332 : vector<16xf32>
        %add3A_335 = arith.addf %add3A_329, %mul3A_334 : vector<16xf32>
        %scan3A_336 = arith.constant 2 : i32
        %scan3A_337 = arith.addi %scan3A_229, %scan3A_336 : i32
        %get3A_338 = arith.index_cast %scan3A_337 : i32 to index
        %get3A_339 = arith.constant 0 : index
        %get3A_340 = tpu.vector_load %arg6[%get3A_338, %get3A_339] {strides = array<i32>} : memref<100x128xf32, #tpu.memory_space<vmem>>, vector<16xf32>,
        %add3A_341 = arith.addf %add3A_291, %get3A_340 : vector<16xf32>
        %mul3A_342 = arith.mulf %get3A_340, %get3A_340 : vector<16xf32>
        %add3A_343 = arith.addf %add3A_335, %mul3A_342 : vector<16xf32>
        %get3A_344 = arith.index_cast %scan3A_337 : i32 to index
        %get3A_345 = arith.constant 16 : index
        %get3A_346 = tpu.vector_load %arg6[%get3A_344, %get3A_345] {strides = array<i32>} : memref<100x128xf32, #tpu.memory_space<vmem>>, vector<16xf32>,
        %add3A_347 = arith.addf %add3A_297, %get3A_346 : vector<16xf32>
        %mul3A_348 = arith.mulf %get3A_346, %get3A_346 : vector<16xf32>
        %add3A_349 = arith.addf %add3A_343, %mul3A_348 : vector<16xf32>
        %get3A_350 = arith.index_cast %scan3A_337 : i32 to index
        %get3A_351 = arith.constant 32 : index
        %get3A_352 = tpu.vector_load %arg6[%get3A_350, %get3A_351] {strides = array<i32>} : memref<100x128xf32, #tpu.memory_space<vmem>>, vector<16xf32>,
        %add3A_353 = arith.addf %add3A_303, %get3A_352 : vector<16xf32>
        %mul3A_354 = arith.mulf %get3A_352, %get3A_352 : vector<16xf32>
        %add3A_355 = arith.addf %add3A_349, %mul3A_354 : vector<16xf32>
        %get3A_356 = arith.index_cast %scan3A_337 : i32 to index
        %get3A_357 = arith.constant 48 : index
        %get3A_358 = tpu.vector_load %arg6[%get3A_356, %get3A_357] {strides = array<i32>} : memref<100x128xf32, #tpu.memory_space<vmem>>, vector<16xf32>,
        %add3A_359 = arith.addf %add3A_309, %get3A_358 : vector<16xf32>
        %mul3A_360 = arith.mulf %get3A_358, %get3A_358 : vector<16xf32>
        %add3A_361 = arith.addf %add3A_355, %mul3A_360 : vector<16xf32>
        %get3A_362 = arith.index_cast %scan3A_337 : i32 to index
        %get3A_363 = arith.constant 64 : index
        %get3A_364 = tpu.vector_load %arg6[%get3A_362, %get3A_363] {strides = array<i32>} : memref<100x128xf32, #tpu.memory_space<vmem>>, vector<16xf32>,
        %add3A_365 = arith.addf %add3A_315, %get3A_364 : vector<16xf32>
        %mul3A_366 = arith.mulf %get3A_364, %get3A_364 : vector<16xf32>
        %add3A_367 = arith.addf %add3A_361, %mul3A_366 : vector<16xf32>
        %get3A_368 = arith.index_cast %scan3A_337 : i32 to index
        %get3A_369 = arith.constant 80 : index
        %get3A_370 = tpu.vector_load %arg6[%get3A_368, %get3A_369] {strides = array<i32>} : memref<100x128xf32, #tpu.memory_space<vmem>>, vector<16xf32>,
        %add3A_371 = arith.addf %add3A_321, %get3A_370 : vector<16xf32>
        %mul3A_372 = arith.mulf %get3A_370, %get3A_370 : vector<16xf32>
        %add3A_373 = arith.addf %add3A_367, %mul3A_372 : vector<16xf32>
        %get3A_374 = arith.index_cast %scan3A_337 : i32 to index
        %get3A_375 = arith.constant 96 : index
        %get3A_376 = tpu.vector_load %arg6[%get3A_374, %get3A_375] {strides = array<i32>} : memref<100x128xf32, #tpu.memory_space<vmem>>, vector<16xf32>,
        %add3A_377 = arith.addf %add3A_327, %get3A_376 : vector<16xf32>
        %mul3A_378 = arith.mulf %get3A_376, %get3A_376 : vector<16xf32>
        %add3A_379 = arith.addf %add3A_373, %mul3A_378 : vector<16xf32>
        %get3A_380 = arith.index_cast %scan3A_337 : i32 to index
        %get3A_381 = arith.constant 112 : index
        %get3A_382 = tpu.vector_load %arg6[%get3A_380, %get3A_381] {strides = array<i32>} : memref<100x128xf32, #tpu.memory_space<vmem>>, vector<16xf32>,
        %add3A_383 = arith.addf %add3A_333, %get3A_382 : vector<16xf32>
        %mul3A_384 = arith.mulf %get3A_382, %get3A_382 : vector<16xf32>
        %add3A_385 = arith.addf %add3A_379, %mul3A_384 : vector<16xf32>
        %scan3A_386 = arith.constant 3 : i32
        %scan3A_387 = arith.addi %scan3A_229, %scan3A_386 : i32
        %get3A_388 = arith.index_cast %scan3A_387 : i32 to index
        %get3A_389 = arith.constant 0 : index
        %get3A_390 = tpu.vector_load %arg6[%get3A_388, %get3A_389] {strides = array<i32>} : memref<100x128xf32, #tpu.memory_space<vmem>>, vector<16xf32>,
        %add3A_391 = arith.addf %add3A_341, %get3A_390 : vector<16xf32>
        %mul3A_392 = arith.mulf %get3A_390, %get3A_390 : vector<16xf32>
        %add3A_393 = arith.addf %add3A_385, %mul3A_392 : vector<16xf32>
        %get3A_394 = arith.index_cast %scan3A_387 : i32 to index
        %get3A_395 = arith.constant 16 : index
        %get3A_396 = tpu.vector_load %arg6[%get3A_394, %get3A_395] {strides = array<i32>} : memref<100x128xf32, #tpu.memory_space<vmem>>, vector<16xf32>,
        %add3A_397 = arith.addf %add3A_347, %get3A_396 : vector<16xf32>
        %mul3A_398 = arith.mulf %get3A_396, %get3A_396 : vector<16xf32>
        %add3A_399 = arith.addf %add3A_393, %mul3A_398 : vector<16xf32>
        %get3A_400 = arith.index_cast %scan3A_387 : i32 to index
        %get3A_401 = arith.constant 32 : index
        %get3A_402 = tpu.vector_load %arg6[%get3A_400, %get3A_401] {strides = array<i32>} : memref<100x128xf32, #tpu.memory_space<vmem>>, vector<16xf32>,
        %add3A_403 = arith.addf %add3A_353, %get3A_402 : vector<16xf32>
        %mul3A_404 = arith.mulf %get3A_402, %get3A_402 : vector<16xf32>
        %add3A_405 = arith.addf %add3A_399, %mul3A_404 : vector<16xf32>
        %get3A_406 = arith.index_cast %scan3A_387 : i32 to index
        %get3A_407 = arith.constant 48 : index
        %get3A_408 = tpu.vector_load %arg6[%get3A_406, %get3A_407] {strides = array<i32>} : memref<100x128xf32, #tpu.memory_space<vmem>>, vector<16xf32>,
        %add3A_409 = arith.addf %add3A_359, %get3A_408 : vector<16xf32>
        %mul3A_410 = arith.mulf %get3A_408, %get3A_408 : vector<16xf32>
        %add3A_411 = arith.addf %add3A_405, %mul3A_410 : vector<16xf32>
        %get3A_412 = arith.index_cast %scan3A_387 : i32 to index
        %get3A_413 = arith.constant 64 : index
        %get3A_414 = tpu.vector_load %arg6[%get3A_412, %get3A_413] {strides = array<i32>} : memref<100x128xf32, #tpu.memory_space<vmem>>, vector<16xf32>,
        %add3A_415 = arith.addf %add3A_365, %get3A_414 : vector<16xf32>
        %mul3A_416 = arith.mulf %get3A_414, %get3A_414 : vector<16xf32>
        %add3A_417 = arith.addf %add3A_411, %mul3A_416 : vector<16xf32>
        %get3A_418 = arith.index_cast %scan3A_387 : i32 to index
        %get3A_419 = arith.constant 80 : index
        %get3A_420 = tpu.vector_load %arg6[%get3A_418, %get3A_419] {strides = array<i32>} : memref<100x128xf32, #tpu.memory_space<vmem>>, vector<16xf32>,
        %add3A_421 = arith.addf %add3A_371, %get3A_420 : vector<16xf32>
        %mul3A_422 = arith.mulf %get3A_420, %get3A_420 : vector<16xf32>
        %add3A_423 = arith.addf %add3A_417, %mul3A_422 : vector<16xf32>
        %get3A_424 = arith.index_cast %scan3A_387 : i32 to index
        %get3A_425 = arith.constant 96 : index
        %get3A_426 = tpu.vector_load %arg6[%get3A_424, %get3A_425] {strides = array<i32>} : memref<100x128xf32, #tpu.memory_space<vmem>>, vector<16xf32>,
        %add3A_427 = arith.addf %add3A_377, %get3A_426 : vector<16xf32>
        %mul3A_428 = arith.mulf %get3A_426, %get3A_426 : vector<16xf32>
        %add3A_429 = arith.addf %add3A_423, %mul3A_428 : vector<16xf32>
        %get3A_430 = arith.index_cast %scan3A_387 : i32 to index
        %get3A_431 = arith.constant 112 : index
        %get3A_432 = tpu.vector_load %arg6[%get3A_430, %get3A_431] {strides = array<i32>} : memref<100x128xf32, #tpu.memory_space<vmem>>, vector<16xf32>,
        %add3A_433 = arith.addf %add3A_383, %get3A_432 : vector<16xf32>
        %mul3A_434 = arith.mulf %get3A_432, %get3A_432 : vector<16xf32>
        %add3A_435 = arith.addf %add3A_429, %mul3A_434 : vector<16xf32>
        scf.yield %add3A_391, %add3A_397, %add3A_403, %add3A_409, %add3A_415, %add3A_421, %add3A_427, %add3A_433, %add3A_435 : vector<16xf32>, vector<16xf32>, vector<16xf32>, vector<16xf32>, vector<16xf32>, vector<16xf32>, vector<16xf32>, vector<16xf32>, vector<16xf32>
      }
      %scan3A_51 = arith.constant 100 : i32
      %mul3A_52 = arith.mulf %scan3A_50#0, %scan3A_50#0 : vector<16xf32>
      %mul3A_53 = arith.mulf %scan3A_50#1, %scan3A_50#1 : vector<16xf32>
      %add3A_54 = arith.addf %mul3A_52, %mul3A_53 : vector<16xf32>
      %mul3A_55 = arith.mulf %scan3A_50#2, %scan3A_50#2 : vector<16xf32>
      %add3A_56 = arith.addf %add3A_54, %mul3A_55 : vector<16xf32>
      %mul3A_57 = arith.mulf %scan3A_50#3, %scan3A_50#3 : vector<16xf32>
      %add3A_58 = arith.addf %add3A_56, %mul3A_57 : vector<16xf32>
      %mul3A_59 = arith.mulf %scan3A_50#4, %scan3A_50#4 : vector<16xf32>
      %add3A_60 = arith.addf %add3A_58, %mul3A_59 : vector<16xf32>
      %mul3A_61 = arith.mulf %scan3A_50#5, %scan3A_50#5 : vector<16xf32>
      %add3A_62 = arith.addf %add3A_60, %mul3A_61 : vector<16xf32>
      %mul3A_63 = arith.mulf %scan3A_50#6, %scan3A_50#6 : vector<16xf32>
      %add3A_64 = arith.addf %add3A_62, %mul3A_63 : vector<16xf32>
      %mul3A_65 = arith.mulf %scan3A_50#7, %scan3A_50#7 : vector<16xf32>
      %add3A_66 = arith.addf %add3A_64, %mul3A_65 : vector<16xf32>
      %sub3A = arith.subf %add3A_66, %scan3A_50#8 : vector<16xf32>
      %mul3A_67 = arith.constant 5.000000e-01 : f32
      %mul3A_68 = vector.broadcast %mul3A_67 : f32 to vector<16xf32>
      %mul3A_69 = arith.mulf %mul3A_68, %sub3A : vector<16xf32>
      %broadcast_in_dim3A_70 = arith.constant true
      %broadcast_in_dim3A_71 = vector.broadcast %broadcast_in_dim3A_70 : i1 to vector<16xi1>
      %masked_cumsum3A = tpu.scan <sum>, %mul3A_69 masked %broadcast_in_dim3A_71 : vector<16xf32>, vector<16xi1> -> vector<16xf32>
      %iota3A = tpu.iota {dimensions = array<i32: 0>} : vector<16xi32>
      %broadcast_in_dim3A_72 = vector.broadcast %add3A_39 : i32 to vector<16xi32>
      %eq3A = arith.constant 15 : i32
      %eq3A_73 = vector.broadcast %eq3A : i32 to vector<16xi32>
      %eq3A_74 = arith.cmpi eq, %iota3A, %eq3A_73 : vector<16xi32>
      tpu.vector_store_idx %arg10[%broadcast_in_dim3A_72], %masked_cumsum3A masked %eq3A_74 : memref<512xf32, #tpu.memory_space<vmem>>[vector<16xi32>], vector<16xf32>, vector<16xi1>
      %add3A_75 = arith.constant 4 : i32
      %add3A_76 = arith.addi %add3A_39, %add3A_75 : i32
      %lt3A = arith.constant 512 : i32
      %lt3A_77 = arith.cmpi slt, %add3A_76, %lt3A : i32
      %convert_element_type3A = arith.extui %lt3A_77 : i1 to i32
      %cond3A = arith.constant 0 : i32
      %cond3A_78 = arith.cmpi ne, %convert_element_type3A, %cond3A : i32
      scf.if %cond3A_78 {
        %add3A_229 = arith.constant 4 : i32
        %add3A_230 = arith.addi %add3A_39, %add3A_229 : i32
        %dma_start3A_231 = arith.constant 0 : i32
        %dma_start3A_232 = tpu.memref_slice %arg5[%add3A_230, %dma_start3A_231] : memref<512x128xi32, #tpu.memory_space<vmem>> -> memref<1x100xi32, #tpu.memory_space<vmem>>
        %dma_start3A_233 = tpu.memref_squeeze %dma_start3A_232 : memref<1x100xi32, #tpu.memory_space<vmem>> -> memref<100xi32, #tpu.memory_space<vmem>>
        %dma_start3A_234 = arith.constant 0 : i32
        %dma_start3A_235 = arith.constant 0 : i32
        %dma_start3A_236 = tpu.memref_slice %arg2[%dma_start3A_234, %dma_start3A_235] : memref<100000x128xf32, #tpu.memory_space<hbm>> -> memref<100000x128xf32, #tpu.memory_space<hbm>>
        tpu.enqueue_indirect_dma source(%dma_start3A_236 : memref<100000x128xf32, #tpu.memory_space<hbm>>) target(%arg6 : memref<100x128xf32, #tpu.memory_space<vmem>>) offsets(%dma_start3A_233 : memref<100xi32, #tpu.memory_space<vmem>>) semaphore(%arg11 : memref<!tpu.dma_semaphore, #tpu.memory_space<semaphore_mem>>)
      } else {
      }
      %add3A_79 = arith.constant 1 : i32
      %add3A_80 = arith.addi %mul3A_37, %add3A_79 : i32
      %dma_wait3A_81 = arith.constant 0 : i32
      %dma_wait3A_82 = tpu.memref_slice %arg5[%add3A_80, %dma_wait3A_81] : memref<512x128xi32, #tpu.memory_space<vmem>> -> memref<1x100xi32, #tpu.memory_space<vmem>>
      %dma_wait3A_83 = tpu.memref_squeeze %dma_wait3A_82 : memref<1x100xi32, #tpu.memory_space<vmem>> -> memref<100xi32, #tpu.memory_space<vmem>>
      %dma_wait3A_84 = arith.constant 0 : i32
      %dma_wait3A_85 = arith.constant 0 : i32
      %dma_wait3A_86 = tpu.memref_slice %arg2[%dma_wait3A_84, %dma_wait3A_85] : memref<100000x128xf32, #tpu.memory_space<hbm>> -> memref<100000x128xf32, #tpu.memory_space<hbm>>
      tpu.wait_indirect_dma semaphore(%arg12 : memref<!tpu.dma_semaphore, #tpu.memory_space<semaphore_mem>>) src(%dma_wait3A_86 : memref<100000x128xf32, #tpu.memory_space<hbm>>) dst(%arg7 : memref<100x128xf32, #tpu.memory_space<vmem>>)
      %broadcast_in_dim3A_87 = arith.constant 0.000000e+00 : f32
      %broadcast_in_dim3A_88 = vector.broadcast %broadcast_in_dim3A_87 : f32 to vector<16xf32>
      %scan3A_89 = arith.constant 0 : i32
      %scan3A_90 = arith.constant 100 : i32
      %scan3A_91 = arith.addi %scan3A_89, %scan3A_90 : i32
      %scan3A_92 = arith.constant 4 : i32
      %scan3A_93:9 = scf.for %scan3A_229 = %scan3A_89 to %scan3A_91 step %scan3A_92 iter_args(%scan3A_230 = %broadcast_in_dim3A_88, %scan3A_231 = %broadcast_in_dim3A_88, %scan3A_232 = %broadcast_in_dim3A_88, %scan3A_233 = %broadcast_in_dim3A_88, %scan3A_234 = %broadcast_in_dim3A_88, %scan3A_235 = %broadcast_in_dim3A_88, %scan3A_236 = %broadcast_in_dim3A_88, %scan3A_237 = %broadcast_in_dim3A_88, %scan3A_238 = %broadcast_in_dim3A_88) -> (vector<16xf32>, vector<16xf32>, vector<16xf32>, vector<16xf32>, vector<16xf32>, vector<16xf32>, vector<16xf32>, vector<16xf32>, vector<16xf32>)  : i32 {
        %get3A = arith.index_cast %scan3A_229 : i32 to index
        %get3A_239 = arith.constant 0 : index
        %get3A_240 = tpu.vector_load %arg7[%get3A, %get3A_239] {strides = array<i32>} : memref<100x128xf32, #tpu.memory_space<vmem>>, vector<16xf32>,
        %add3A_241 = arith.addf %scan3A_230, %get3A_240 : vector<16xf32>
        %mul3A_242 = arith.mulf %get3A_240, %get3A_240 : vector<16xf32>
        %add3A_243 = arith.addf %scan3A_238, %mul3A_242 : vector<16xf32>
        %get3A_244 = arith.index_cast %scan3A_229 : i32 to index
        %get3A_245 = arith.constant 16 : index
        %get3A_246 = tpu.vector_load %arg7[%get3A_244, %get3A_245] {strides = array<i32>} : memref<100x128xf32, #tpu.memory_space<vmem>>, vector<16xf32>,
        %add3A_247 = arith.addf %scan3A_231, %get3A_246 : vector<16xf32>
        %mul3A_248 = arith.mulf %get3A_246, %get3A_246 : vector<16xf32>
        %add3A_249 = arith.addf %add3A_243, %mul3A_248 : vector<16xf32>
        %get3A_250 = arith.index_cast %scan3A_229 : i32 to index
        %get3A_251 = arith.constant 32 : index
        %get3A_252 = tpu.vector_load %arg7[%get3A_250, %get3A_251] {strides = array<i32>} : memref<100x128xf32, #tpu.memory_space<vmem>>, vector<16xf32>,
        %add3A_253 = arith.addf %scan3A_232, %get3A_252 : vector<16xf32>
        %mul3A_254 = arith.mulf %get3A_252, %get3A_252 : vector<16xf32>
        %add3A_255 = arith.addf %add3A_249, %mul3A_254 : vector<16xf32>
        %get3A_256 = arith.index_cast %scan3A_229 : i32 to index
        %get3A_257 = arith.constant 48 : index
        %get3A_258 = tpu.vector_load %arg7[%get3A_256, %get3A_257] {strides = array<i32>} : memref<100x128xf32, #tpu.memory_space<vmem>>, vector<16xf32>,
        %add3A_259 = arith.addf %scan3A_233, %get3A_258 : vector<16xf32>
        %mul3A_260 = arith.mulf %get3A_258, %get3A_258 : vector<16xf32>
        %add3A_261 = arith.addf %add3A_255, %mul3A_260 : vector<16xf32>
        %get3A_262 = arith.index_cast %scan3A_229 : i32 to index
        %get3A_263 = arith.constant 64 : index
        %get3A_264 = tpu.vector_load %arg7[%get3A_262, %get3A_263] {strides = array<i32>} : memref<100x128xf32, #tpu.memory_space<vmem>>, vector<16xf32>,
        %add3A_265 = arith.addf %scan3A_234, %get3A_264 : vector<16xf32>
        %mul3A_266 = arith.mulf %get3A_264, %get3A_264 : vector<16xf32>
        %add3A_267 = arith.addf %add3A_261, %mul3A_266 : vector<16xf32>
        %get3A_268 = arith.index_cast %scan3A_229 : i32 to index
        %get3A_269 = arith.constant 80 : index
        %get3A_270 = tpu.vector_load %arg7[%get3A_268, %get3A_269] {strides = array<i32>} : memref<100x128xf32, #tpu.memory_space<vmem>>, vector<16xf32>,
        %add3A_271 = arith.addf %scan3A_235, %get3A_270 : vector<16xf32>
        %mul3A_272 = arith.mulf %get3A_270, %get3A_270 : vector<16xf32>
        %add3A_273 = arith.addf %add3A_267, %mul3A_272 : vector<16xf32>
        %get3A_274 = arith.index_cast %scan3A_229 : i32 to index
        %get3A_275 = arith.constant 96 : index
        %get3A_276 = tpu.vector_load %arg7[%get3A_274, %get3A_275] {strides = array<i32>} : memref<100x128xf32, #tpu.memory_space<vmem>>, vector<16xf32>,
        %add3A_277 = arith.addf %scan3A_236, %get3A_276 : vector<16xf32>
        %mul3A_278 = arith.mulf %get3A_276, %get3A_276 : vector<16xf32>
        %add3A_279 = arith.addf %add3A_273, %mul3A_278 : vector<16xf32>
        %get3A_280 = arith.index_cast %scan3A_229 : i32 to index
        %get3A_281 = arith.constant 112 : index
        %get3A_282 = tpu.vector_load %arg7[%get3A_280, %get3A_281] {strides = array<i32>} : memref<100x128xf32, #tpu.memory_space<vmem>>, vector<16xf32>,
        %add3A_283 = arith.addf %scan3A_237, %get3A_282 : vector<16xf32>
        %mul3A_284 = arith.mulf %get3A_282, %get3A_282 : vector<16xf32>
        %add3A_285 = arith.addf %add3A_279, %mul3A_284 : vector<16xf32>
        %scan3A_286 = arith.constant 1 : i32
        %scan3A_287 = arith.addi %scan3A_229, %scan3A_286 : i32
        %get3A_288 = arith.index_cast %scan3A_287 : i32 to index
        %get3A_289 = arith.constant 0 : index
        %get3A_290 = tpu.vector_load %arg7[%get3A_288, %get3A_289] {strides = array<i32>} : memref<100x128xf32, #tpu.memory_space<vmem>>, vector<16xf32>,
        %add3A_291 = arith.addf %add3A_241, %get3A_290 : vector<16xf32>
        %mul3A_292 = arith.mulf %get3A_290, %get3A_290 : vector<16xf32>
        %add3A_293 = arith.addf %add3A_285, %mul3A_292 : vector<16xf32>
        %get3A_294 = arith.index_cast %scan3A_287 : i32 to index
        %get3A_295 = arith.constant 16 : index
        %get3A_296 = tpu.vector_load %arg7[%get3A_294, %get3A_295] {strides = array<i32>} : memref<100x128xf32, #tpu.memory_space<vmem>>, vector<16xf32>,
        %add3A_297 = arith.addf %add3A_247, %get3A_296 : vector<16xf32>
        %mul3A_298 = arith.mulf %get3A_296, %get3A_296 : vector<16xf32>
        %add3A_299 = arith.addf %add3A_293, %mul3A_298 : vector<16xf32>
        %get3A_300 = arith.index_cast %scan3A_287 : i32 to index
        %get3A_301 = arith.constant 32 : index
        %get3A_302 = tpu.vector_load %arg7[%get3A_300, %get3A_301] {strides = array<i32>} : memref<100x128xf32, #tpu.memory_space<vmem>>, vector<16xf32>,
        %add3A_303 = arith.addf %add3A_253, %get3A_302 : vector<16xf32>
        %mul3A_304 = arith.mulf %get3A_302, %get3A_302 : vector<16xf32>
        %add3A_305 = arith.addf %add3A_299, %mul3A_304 : vector<16xf32>
        %get3A_306 = arith.index_cast %scan3A_287 : i32 to index
        %get3A_307 = arith.constant 48 : index
        %get3A_308 = tpu.vector_load %arg7[%get3A_306, %get3A_307] {strides = array<i32>} : memref<100x128xf32, #tpu.memory_space<vmem>>, vector<16xf32>,
        %add3A_309 = arith.addf %add3A_259, %get3A_308 : vector<16xf32>
        %mul3A_310 = arith.mulf %get3A_308, %get3A_308 : vector<16xf32>
        %add3A_311 = arith.addf %add3A_305, %mul3A_310 : vector<16xf32>
        %get3A_312 = arith.index_cast %scan3A_287 : i32 to index
        %get3A_313 = arith.constant 64 : index
        %get3A_314 = tpu.vector_load %arg7[%get3A_312, %get3A_313] {strides = array<i32>} : memref<100x128xf32, #tpu.memory_space<vmem>>, vector<16xf32>,
        %add3A_315 = arith.addf %add3A_265, %get3A_314 : vector<16xf32>
        %mul3A_316 = arith.mulf %get3A_314, %get3A_314 : vector<16xf32>
        %add3A_317 = arith.addf %add3A_311, %mul3A_316 : vector<16xf32>
        %get3A_318 = arith.index_cast %scan3A_287 : i32 to index
        %get3A_319 = arith.constant 80 : index
        %get3A_320 = tpu.vector_load %arg7[%get3A_318, %get3A_319] {strides = array<i32>} : memref<100x128xf32, #tpu.memory_space<vmem>>, vector<16xf32>,
        %add3A_321 = arith.addf %add3A_271, %get3A_320 : vector<16xf32>
        %mul3A_322 = arith.mulf %get3A_320, %get3A_320 : vector<16xf32>
        %add3A_323 = arith.addf %add3A_317, %mul3A_322 : vector<16xf32>
        %get3A_324 = arith.index_cast %scan3A_287 : i32 to index
        %get3A_325 = arith.constant 96 : index
        %get3A_326 = tpu.vector_load %arg7[%get3A_324, %get3A_325] {strides = array<i32>} : memref<100x128xf32, #tpu.memory_space<vmem>>, vector<16xf32>,
        %add3A_327 = arith.addf %add3A_277, %get3A_326 : vector<16xf32>
        %mul3A_328 = arith.mulf %get3A_326, %get3A_326 : vector<16xf32>
        %add3A_329 = arith.addf %add3A_323, %mul3A_328 : vector<16xf32>
        %get3A_330 = arith.index_cast %scan3A_287 : i32 to index
        %get3A_331 = arith.constant 112 : index
        %get3A_332 = tpu.vector_load %arg7[%get3A_330, %get3A_331] {strides = array<i32>} : memref<100x128xf32, #tpu.memory_space<vmem>>, vector<16xf32>,
        %add3A_333 = arith.addf %add3A_283, %get3A_332 : vector<16xf32>
        %mul3A_334 = arith.mulf %get3A_332, %get3A_332 : vector<16xf32>
        %add3A_335 = arith.addf %add3A_329, %mul3A_334 : vector<16xf32>
        %scan3A_336 = arith.constant 2 : i32
        %scan3A_337 = arith.addi %scan3A_229, %scan3A_336 : i32
        %get3A_338 = arith.index_cast %scan3A_337 : i32 to index
        %get3A_339 = arith.constant 0 : index
        %get3A_340 = tpu.vector_load %arg7[%get3A_338, %get3A_339] {strides = array<i32>} : memref<100x128xf32, #tpu.memory_space<vmem>>, vector<16xf32>,
        %add3A_341 = arith.addf %add3A_291, %get3A_340 : vector<16xf32>
        %mul3A_342 = arith.mulf %get3A_340, %get3A_340 : vector<16xf32>
        %add3A_343 = arith.addf %add3A_335, %mul3A_342 : vector<16xf32>
        %get3A_344 = arith.index_cast %scan3A_337 : i32 to index
        %get3A_345 = arith.constant 16 : index
        %get3A_346 = tpu.vector_load %arg7[%get3A_344, %get3A_345] {strides = array<i32>} : memref<100x128xf32, #tpu.memory_space<vmem>>, vector<16xf32>,
        %add3A_347 = arith.addf %add3A_297, %get3A_346 : vector<16xf32>
        %mul3A_348 = arith.mulf %get3A_346, %get3A_346 : vector<16xf32>
        %add3A_349 = arith.addf %add3A_343, %mul3A_348 : vector<16xf32>
        %get3A_350 = arith.index_cast %scan3A_337 : i32 to index
        %get3A_351 = arith.constant 32 : index
        %get3A_352 = tpu.vector_load %arg7[%get3A_350, %get3A_351] {strides = array<i32>} : memref<100x128xf32, #tpu.memory_space<vmem>>, vector<16xf32>,
        %add3A_353 = arith.addf %add3A_303, %get3A_352 : vector<16xf32>
        %mul3A_354 = arith.mulf %get3A_352, %get3A_352 : vector<16xf32>
        %add3A_355 = arith.addf %add3A_349, %mul3A_354 : vector<16xf32>
        %get3A_356 = arith.index_cast %scan3A_337 : i32 to index
        %get3A_357 = arith.constant 48 : index
        %get3A_358 = tpu.vector_load %arg7[%get3A_356, %get3A_357] {strides = array<i32>} : memref<100x128xf32, #tpu.memory_space<vmem>>, vector<16xf32>,
        %add3A_359 = arith.addf %add3A_309, %get3A_358 : vector<16xf32>
        %mul3A_360 = arith.mulf %get3A_358, %get3A_358 : vector<16xf32>
        %add3A_361 = arith.addf %add3A_355, %mul3A_360 : vector<16xf32>
        %get3A_362 = arith.index_cast %scan3A_337 : i32 to index
        %get3A_363 = arith.constant 64 : index
        %get3A_364 = tpu.vector_load %arg7[%get3A_362, %get3A_363] {strides = array<i32>} : memref<100x128xf32, #tpu.memory_space<vmem>>, vector<16xf32>,
        %add3A_365 = arith.addf %add3A_315, %get3A_364 : vector<16xf32>
        %mul3A_366 = arith.mulf %get3A_364, %get3A_364 : vector<16xf32>
        %add3A_367 = arith.addf %add3A_361, %mul3A_366 : vector<16xf32>
        %get3A_368 = arith.index_cast %scan3A_337 : i32 to index
        %get3A_369 = arith.constant 80 : index
        %get3A_370 = tpu.vector_load %arg7[%get3A_368, %get3A_369] {strides = array<i32>} : memref<100x128xf32, #tpu.memory_space<vmem>>, vector<16xf32>,
        %add3A_371 = arith.addf %add3A_321, %get3A_370 : vector<16xf32>
        %mul3A_372 = arith.mulf %get3A_370, %get3A_370 : vector<16xf32>
        %add3A_373 = arith.addf %add3A_367, %mul3A_372 : vector<16xf32>
        %get3A_374 = arith.index_cast %scan3A_337 : i32 to index
        %get3A_375 = arith.constant 96 : index
        %get3A_376 = tpu.vector_load %arg7[%get3A_374, %get3A_375] {strides = array<i32>} : memref<100x128xf32, #tpu.memory_space<vmem>>, vector<16xf32>,
        %add3A_377 = arith.addf %add3A_327, %get3A_376 : vector<16xf32>
        %mul3A_378 = arith.mulf %get3A_376, %get3A_376 : vector<16xf32>
        %add3A_379 = arith.addf %add3A_373, %mul3A_378 : vector<16xf32>
        %get3A_380 = arith.index_cast %scan3A_337 : i32 to index
        %get3A_381 = arith.constant 112 : index
        %get3A_382 = tpu.vector_load %arg7[%get3A_380, %get3A_381] {strides = array<i32>} : memref<100x128xf32, #tpu.memory_space<vmem>>, vector<16xf32>,
        %add3A_383 = arith.addf %add3A_333, %get3A_382 : vector<16xf32>
        %mul3A_384 = arith.mulf %get3A_382, %get3A_382 : vector<16xf32>
        %add3A_385 = arith.addf %add3A_379, %mul3A_384 : vector<16xf32>
        %scan3A_386 = arith.constant 3 : i32
        %scan3A_387 = arith.addi %scan3A_229, %scan3A_386 : i32
        %get3A_388 = arith.index_cast %scan3A_387 : i32 to index
        %get3A_389 = arith.constant 0 : index
        %get3A_390 = tpu.vector_load %arg7[%get3A_388, %get3A_389] {strides = array<i32>} : memref<100x128xf32, #tpu.memory_space<vmem>>, vector<16xf32>,
        %add3A_391 = arith.addf %add3A_341, %get3A_390 : vector<16xf32>
        %mul3A_392 = arith.mulf %get3A_390, %get3A_390 : vector<16xf32>
        %add3A_393 = arith.addf %add3A_385, %mul3A_392 : vector<16xf32>
        %get3A_394 = arith.index_cast %scan3A_387 : i32 to index
        %get3A_395 = arith.constant 16 : index
        %get3A_396 = tpu.vector_load %arg7[%get3A_394, %get3A_395] {strides = array<i32>} : memref<100x128xf32, #tpu.memory_space<vmem>>, vector<16xf32>,
        %add3A_397 = arith.addf %add3A_347, %get3A_396 : vector<16xf32>
        %mul3A_398 = arith.mulf %get3A_396, %get3A_396 : vector<16xf32>
        %add3A_399 = arith.addf %add3A_393, %mul3A_398 : vector<16xf32>
        %get3A_400 = arith.index_cast %scan3A_387 : i32 to index
        %get3A_401 = arith.constant 32 : index
        %get3A_402 = tpu.vector_load %arg7[%get3A_400, %get3A_401] {strides = array<i32>} : memref<100x128xf32, #tpu.memory_space<vmem>>, vector<16xf32>,
        %add3A_403 = arith.addf %add3A_353, %get3A_402 : vector<16xf32>
        %mul3A_404 = arith.mulf %get3A_402, %get3A_402 : vector<16xf32>
        %add3A_405 = arith.addf %add3A_399, %mul3A_404 : vector<16xf32>
        %get3A_406 = arith.index_cast %scan3A_387 : i32 to index
        %get3A_407 = arith.constant 48 : index
        %get3A_408 = tpu.vector_load %arg7[%get3A_406, %get3A_407] {strides = array<i32>} : memref<100x128xf32, #tpu.memory_space<vmem>>, vector<16xf32>,
        %add3A_409 = arith.addf %add3A_359, %get3A_408 : vector<16xf32>
        %mul3A_410 = arith.mulf %get3A_408, %get3A_408 : vector<16xf32>
        %add3A_411 = arith.addf %add3A_405, %mul3A_410 : vector<16xf32>
        %get3A_412 = arith.index_cast %scan3A_387 : i32 to index
        %get3A_413 = arith.constant 64 : index
        %get3A_414 = tpu.vector_load %arg7[%get3A_412, %get3A_413] {strides = array<i32>} : memref<100x128xf32, #tpu.memory_space<vmem>>, vector<16xf32>,
        %add3A_415 = arith.addf %add3A_365, %get3A_414 : vector<16xf32>
        %mul3A_416 = arith.mulf %get3A_414, %get3A_414 : vector<16xf32>
        %add3A_417 = arith.addf %add3A_411, %mul3A_416 : vector<16xf32>
        %get3A_418 = arith.index_cast %scan3A_387 : i32 to index
        %get3A_419 = arith.constant 80 : index
        %get3A_420 = tpu.vector_load %arg7[%get3A_418, %get3A_419] {strides = array<i32>} : memref<100x128xf32, #tpu.memory_space<vmem>>, vector<16xf32>,
        %add3A_421 = arith.addf %add3A_371, %get3A_420 : vector<16xf32>
        %mul3A_422 = arith.mulf %get3A_420, %get3A_420 : vector<16xf32>
        %add3A_423 = arith.addf %add3A_417, %mul3A_422 : vector<16xf32>
        %get3A_424 = arith.index_cast %scan3A_387 : i32 to index
        %get3A_425 = arith.constant 96 : index
        %get3A_426 = tpu.vector_load %arg7[%get3A_424, %get3A_425] {strides = array<i32>} : memref<100x128xf32, #tpu.memory_space<vmem>>, vector<16xf32>,
        %add3A_427 = arith.addf %add3A_377, %get3A_426 : vector<16xf32>
        %mul3A_428 = arith.mulf %get3A_426, %get3A_426 : vector<16xf32>
        %add3A_429 = arith.addf %add3A_423, %mul3A_428 : vector<16xf32>
        %get3A_430 = arith.index_cast %scan3A_387 : i32 to index
        %get3A_431 = arith.constant 112 : index
        %get3A_432 = tpu.vector_load %arg7[%get3A_430, %get3A_431] {strides = array<i32>} : memref<100x128xf32, #tpu.memory_space<vmem>>, vector<16xf32>,
        %add3A_433 = arith.addf %add3A_383, %get3A_432 : vector<16xf32>
        %mul3A_434 = arith.mulf %get3A_432, %get3A_432 : vector<16xf32>
        %add3A_435 = arith.addf %add3A_429, %mul3A_434 : vector<16xf32>
        scf.yield %add3A_391, %add3A_397, %add3A_403, %add3A_409, %add3A_415, %add3A_421, %add3A_427, %add3A_433, %add3A_435 : vector<16xf32>, vector<16xf32>, vector<16xf32>, vector<16xf32>, vector<16xf32>, vector<16xf32>, vector<16xf32>, vector<16xf32>, vector<16xf32>
      }
      %scan3A_94 = arith.constant 100 : i32
      %mul3A_95 = arith.mulf %scan3A_93#0, %scan3A_93#0 : vector<16xf32>
      %mul3A_96 = arith.mulf %scan3A_93#1, %scan3A_93#1 : vector<16xf32>
      %add3A_97 = arith.addf %mul3A_95, %mul3A_96 : vector<16xf32>
      %mul3A_98 = arith.mulf %scan3A_93#2, %scan3A_93#2 : vector<16xf32>
      %add3A_99 = arith.addf %add3A_97, %mul3A_98 : vector<16xf32>
      %mul3A_100 = arith.mulf %scan3A_93#3, %scan3A_93#3 : vector<16xf32>
      %add3A_101 = arith.addf %add3A_99, %mul3A_100 : vector<16xf32>
      %mul3A_102 = arith.mulf %scan3A_93#4, %scan3A_93#4 : vector<16xf32>
      %add3A_103 = arith.addf %add3A_101, %mul3A_102 : vector<16xf32>
      %mul3A_104 = arith.mulf %scan3A_93#5, %scan3A_93#5 : vector<16xf32>
      %add3A_105 = arith.addf %add3A_103, %mul3A_104 : vector<16xf32>
      %mul3A_106 = arith.mulf %scan3A_93#6, %scan3A_93#6 : vector<16xf32>
      %add3A_107 = arith.addf %add3A_105, %mul3A_106 : vector<16xf32>
      %mul3A_108 = arith.mulf %scan3A_93#7, %scan3A_93#7 : vector<16xf32>
      %add3A_109 = arith.addf %add3A_107, %mul3A_108 : vector<16xf32>
      %sub3A_110 = arith.subf %add3A_109, %scan3A_93#8 : vector<16xf32>
      %mul3A_111 = arith.constant 5.000000e-01 : f32
      %mul3A_112 = vector.broadcast %mul3A_111 : f32 to vector<16xf32>
      %mul3A_113 = arith.mulf %mul3A_112, %sub3A_110 : vector<16xf32>
      %broadcast_in_dim3A_114 = arith.constant true
      %broadcast_in_dim3A_115 = vector.broadcast %broadcast_in_dim3A_114 : i1 to vector<16xi1>
      %masked_cumsum3A_116 = tpu.scan <sum>, %mul3A_113 masked %broadcast_in_dim3A_115 : vector<16xf32>, vector<16xi1> -> vector<16xf32>
      %iota3A_117 = tpu.iota {dimensions = array<i32: 0>} : vector<16xi32>
      %broadcast_in_dim3A_118 = vector.broadcast %add3A_80 : i32 to vector<16xi32>
      %eq3A_119 = arith.constant 15 : i32
      %eq3A_120 = vector.broadcast %eq3A_119 : i32 to vector<16xi32>
      %eq3A_121 = arith.cmpi eq, %iota3A_117, %eq3A_120 : vector<16xi32>
      tpu.vector_store_idx %arg10[%broadcast_in_dim3A_118], %masked_cumsum3A_116 masked %eq3A_121 : memref<512xf32, #tpu.memory_space<vmem>>[vector<16xi32>], vector<16xf32>, vector<16xi1>
      %add3A_122 = arith.constant 4 : i32
      %add3A_123 = arith.addi %add3A_80, %add3A_122 : i32
      %lt3A_124 = arith.constant 512 : i32
      %lt3A_125 = arith.cmpi slt, %add3A_123, %lt3A_124 : i32
      %convert_element_type3A_126 = arith.extui %lt3A_125 : i1 to i32
      %cond3A_127 = arith.constant 0 : i32
      %cond3A_128 = arith.cmpi ne, %convert_element_type3A_126, %cond3A_127 : i32
      scf.if %cond3A_128 {
        %add3A_229 = arith.constant 4 : i32
        %add3A_230 = arith.addi %add3A_80, %add3A_229 : i32
        %dma_start3A_231 = arith.constant 0 : i32
        %dma_start3A_232 = tpu.memref_slice %arg5[%add3A_230, %dma_start3A_231] : memref<512x128xi32, #tpu.memory_space<vmem>> -> memref<1x100xi32, #tpu.memory_space<vmem>>
        %dma_start3A_233 = tpu.memref_squeeze %dma_start3A_232 : memref<1x100xi32, #tpu.memory_space<vmem>> -> memref<100xi32, #tpu.memory_space<vmem>>
        %dma_start3A_234 = arith.constant 0 : i32
        %dma_start3A_235 = arith.constant 0 : i32
        %dma_start3A_236 = tpu.memref_slice %arg2[%dma_start3A_234, %dma_start3A_235] : memref<100000x128xf32, #tpu.memory_space<hbm>> -> memref<100000x128xf32, #tpu.memory_space<hbm>>
        tpu.enqueue_indirect_dma source(%dma_start3A_236 : memref<100000x128xf32, #tpu.memory_space<hbm>>) target(%arg7 : memref<100x128xf32, #tpu.memory_space<vmem>>) offsets(%dma_start3A_233 : memref<100xi32, #tpu.memory_space<vmem>>) semaphore(%arg12 : memref<!tpu.dma_semaphore, #tpu.memory_space<semaphore_mem>>)
      } else {
      }
      %add3A_129 = arith.constant 2 : i32
      %add3A_130 = arith.addi %mul3A_37, %add3A_129 : i32
      %dma_wait3A_131 = arith.constant 0 : i32
      %dma_wait3A_132 = tpu.memref_slice %arg5[%add3A_130, %dma_wait3A_131] : memref<512x128xi32, #tpu.memory_space<vmem>> -> memref<1x100xi32, #tpu.memory_space<vmem>>
      %dma_wait3A_133 = tpu.memref_squeeze %dma_wait3A_132 : memref<1x100xi32, #tpu.memory_space<vmem>> -> memref<100xi32, #tpu.memory_space<vmem>>
      %dma_wait3A_134 = arith.constant 0 : i32
      %dma_wait3A_135 = arith.constant 0 : i32
      %dma_wait3A_136 = tpu.memref_slice %arg2[%dma_wait3A_134, %dma_wait3A_135] : memref<100000x128xf32, #tpu.memory_space<hbm>> -> memref<100000x128xf32, #tpu.memory_space<hbm>>
      tpu.wait_indirect_dma semaphore(%arg13 : memref<!tpu.dma_semaphore, #tpu.memory_space<semaphore_mem>>) src(%dma_wait3A_136 : memref<100000x128xf32, #tpu.memory_space<hbm>>) dst(%arg8 : memref<100x128xf32, #tpu.memory_space<vmem>>)
      %broadcast_in_dim3A_137 = arith.constant 0.000000e+00 : f32
      %broadcast_in_dim3A_138 = vector.broadcast %broadcast_in_dim3A_137 : f32 to vector<16xf32>
      %scan3A_139 = arith.constant 0 : i32
      %scan3A_140 = arith.constant 100 : i32
      %scan3A_141 = arith.addi %scan3A_139, %scan3A_140 : i32
      %scan3A_142 = arith.constant 4 : i32
      %scan3A_143:9 = scf.for %scan3A_229 = %scan3A_139 to %scan3A_141 step %scan3A_142 iter_args(%scan3A_230 = %broadcast_in_dim3A_138, %scan3A_231 = %broadcast_in_dim3A_138, %scan3A_232 = %broadcast_in_dim3A_138, %scan3A_233 = %broadcast_in_dim3A_138, %scan3A_234 = %broadcast_in_dim3A_138, %scan3A_235 = %broadcast_in_dim3A_138, %scan3A_236 = %broadcast_in_dim3A_138, %scan3A_237 = %broadcast_in_dim3A_138, %scan3A_238 = %broadcast_in_dim3A_138) -> (vector<16xf32>, vector<16xf32>, vector<16xf32>, vector<16xf32>, vector<16xf32>, vector<16xf32>, vector<16xf32>, vector<16xf32>, vector<16xf32>)  : i32 {
        %get3A = arith.index_cast %scan3A_229 : i32 to index
        %get3A_239 = arith.constant 0 : index
        %get3A_240 = tpu.vector_load %arg8[%get3A, %get3A_239] {strides = array<i32>} : memref<100x128xf32, #tpu.memory_space<vmem>>, vector<16xf32>,
        %add3A_241 = arith.addf %scan3A_230, %get3A_240 : vector<16xf32>
        %mul3A_242 = arith.mulf %get3A_240, %get3A_240 : vector<16xf32>
        %add3A_243 = arith.addf %scan3A_238, %mul3A_242 : vector<16xf32>
        %get3A_244 = arith.index_cast %scan3A_229 : i32 to index
        %get3A_245 = arith.constant 16 : index
        %get3A_246 = tpu.vector_load %arg8[%get3A_244, %get3A_245] {strides = array<i32>} : memref<100x128xf32, #tpu.memory_space<vmem>>, vector<16xf32>,
        %add3A_247 = arith.addf %scan3A_231, %get3A_246 : vector<16xf32>
        %mul3A_248 = arith.mulf %get3A_246, %get3A_246 : vector<16xf32>
        %add3A_249 = arith.addf %add3A_243, %mul3A_248 : vector<16xf32>
        %get3A_250 = arith.index_cast %scan3A_229 : i32 to index
        %get3A_251 = arith.constant 32 : index
        %get3A_252 = tpu.vector_load %arg8[%get3A_250, %get3A_251] {strides = array<i32>} : memref<100x128xf32, #tpu.memory_space<vmem>>, vector<16xf32>,
        %add3A_253 = arith.addf %scan3A_232, %get3A_252 : vector<16xf32>
        %mul3A_254 = arith.mulf %get3A_252, %get3A_252 : vector<16xf32>
        %add3A_255 = arith.addf %add3A_249, %mul3A_254 : vector<16xf32>
        %get3A_256 = arith.index_cast %scan3A_229 : i32 to index
        %get3A_257 = arith.constant 48 : index
        %get3A_258 = tpu.vector_load %arg8[%get3A_256, %get3A_257] {strides = array<i32>} : memref<100x128xf32, #tpu.memory_space<vmem>>, vector<16xf32>,
        %add3A_259 = arith.addf %scan3A_233, %get3A_258 : vector<16xf32>
        %mul3A_260 = arith.mulf %get3A_258, %get3A_258 : vector<16xf32>
        %add3A_261 = arith.addf %add3A_255, %mul3A_260 : vector<16xf32>
        %get3A_262 = arith.index_cast %scan3A_229 : i32 to index
        %get3A_263 = arith.constant 64 : index
        %get3A_264 = tpu.vector_load %arg8[%get3A_262, %get3A_263] {strides = array<i32>} : memref<100x128xf32, #tpu.memory_space<vmem>>, vector<16xf32>,
        %add3A_265 = arith.addf %scan3A_234, %get3A_264 : vector<16xf32>
        %mul3A_266 = arith.mulf %get3A_264, %get3A_264 : vector<16xf32>
        %add3A_267 = arith.addf %add3A_261, %mul3A_266 : vector<16xf32>
        %get3A_268 = arith.index_cast %scan3A_229 : i32 to index
        %get3A_269 = arith.constant 80 : index
        %get3A_270 = tpu.vector_load %arg8[%get3A_268, %get3A_269] {strides = array<i32>} : memref<100x128xf32, #tpu.memory_space<vmem>>, vector<16xf32>,
        %add3A_271 = arith.addf %scan3A_235, %get3A_270 : vector<16xf32>
        %mul3A_272 = arith.mulf %get3A_270, %get3A_270 : vector<16xf32>
        %add3A_273 = arith.addf %add3A_267, %mul3A_272 : vector<16xf32>
        %get3A_274 = arith.index_cast %scan3A_229 : i32 to index
        %get3A_275 = arith.constant 96 : index
        %get3A_276 = tpu.vector_load %arg8[%get3A_274, %get3A_275] {strides = array<i32>} : memref<100x128xf32, #tpu.memory_space<vmem>>, vector<16xf32>,
        %add3A_277 = arith.addf %scan3A_236, %get3A_276 : vector<16xf32>
        %mul3A_278 = arith.mulf %get3A_276, %get3A_276 : vector<16xf32>
        %add3A_279 = arith.addf %add3A_273, %mul3A_278 : vector<16xf32>
        %get3A_280 = arith.index_cast %scan3A_229 : i32 to index
        %get3A_281 = arith.constant 112 : index
        %get3A_282 = tpu.vector_load %arg8[%get3A_280, %get3A_281] {strides = array<i32>} : memref<100x128xf32, #tpu.memory_space<vmem>>, vector<16xf32>,
        %add3A_283 = arith.addf %scan3A_237, %get3A_282 : vector<16xf32>
        %mul3A_284 = arith.mulf %get3A_282, %get3A_282 : vector<16xf32>
        %add3A_285 = arith.addf %add3A_279, %mul3A_284 : vector<16xf32>
        %scan3A_286 = arith.constant 1 : i32
        %scan3A_287 = arith.addi %scan3A_229, %scan3A_286 : i32
        %get3A_288 = arith.index_cast %scan3A_287 : i32 to index
        %get3A_289 = arith.constant 0 : index
        %get3A_290 = tpu.vector_load %arg8[%get3A_288, %get3A_289] {strides = array<i32>} : memref<100x128xf32, #tpu.memory_space<vmem>>, vector<16xf32>,
        %add3A_291 = arith.addf %add3A_241, %get3A_290 : vector<16xf32>
        %mul3A_292 = arith.mulf %get3A_290, %get3A_290 : vector<16xf32>
        %add3A_293 = arith.addf %add3A_285, %mul3A_292 : vector<16xf32>
        %get3A_294 = arith.index_cast %scan3A_287 : i32 to index
        %get3A_295 = arith.constant 16 : index
        %get3A_296 = tpu.vector_load %arg8[%get3A_294, %get3A_295] {strides = array<i32>} : memref<100x128xf32, #tpu.memory_space<vmem>>, vector<16xf32>,
        %add3A_297 = arith.addf %add3A_247, %get3A_296 : vector<16xf32>
        %mul3A_298 = arith.mulf %get3A_296, %get3A_296 : vector<16xf32>
        %add3A_299 = arith.addf %add3A_293, %mul3A_298 : vector<16xf32>
        %get3A_300 = arith.index_cast %scan3A_287 : i32 to index
        %get3A_301 = arith.constant 32 : index
        %get3A_302 = tpu.vector_load %arg8[%get3A_300, %get3A_301] {strides = array<i32>} : memref<100x128xf32, #tpu.memory_space<vmem>>, vector<16xf32>,
        %add3A_303 = arith.addf %add3A_253, %get3A_302 : vector<16xf32>
        %mul3A_304 = arith.mulf %get3A_302, %get3A_302 : vector<16xf32>
        %add3A_305 = arith.addf %add3A_299, %mul3A_304 : vector<16xf32>
        %get3A_306 = arith.index_cast %scan3A_287 : i32 to index
        %get3A_307 = arith.constant 48 : index
        %get3A_308 = tpu.vector_load %arg8[%get3A_306, %get3A_307] {strides = array<i32>} : memref<100x128xf32, #tpu.memory_space<vmem>>, vector<16xf32>,
        %add3A_309 = arith.addf %add3A_259, %get3A_308 : vector<16xf32>
        %mul3A_310 = arith.mulf %get3A_308, %get3A_308 : vector<16xf32>
        %add3A_311 = arith.addf %add3A_305, %mul3A_310 : vector<16xf32>
        %get3A_312 = arith.index_cast %scan3A_287 : i32 to index
        %get3A_313 = arith.constant 64 : index
        %get3A_314 = tpu.vector_load %arg8[%get3A_312, %get3A_313] {strides = array<i32>} : memref<100x128xf32, #tpu.memory_space<vmem>>, vector<16xf32>,
        %add3A_315 = arith.addf %add3A_265, %get3A_314 : vector<16xf32>
        %mul3A_316 = arith.mulf %get3A_314, %get3A_314 : vector<16xf32>
        %add3A_317 = arith.addf %add3A_311, %mul3A_316 : vector<16xf32>
        %get3A_318 = arith.index_cast %scan3A_287 : i32 to index
        %get3A_319 = arith.constant 80 : index
        %get3A_320 = tpu.vector_load %arg8[%get3A_318, %get3A_319] {strides = array<i32>} : memref<100x128xf32, #tpu.memory_space<vmem>>, vector<16xf32>,
        %add3A_321 = arith.addf %add3A_271, %get3A_320 : vector<16xf32>
        %mul3A_322 = arith.mulf %get3A_320, %get3A_320 : vector<16xf32>
        %add3A_323 = arith.addf %add3A_317, %mul3A_322 : vector<16xf32>
        %get3A_324 = arith.index_cast %scan3A_287 : i32 to index
        %get3A_325 = arith.constant 96 : index
        %get3A_326 = tpu.vector_load %arg8[%get3A_324, %get3A_325] {strides = array<i32>} : memref<100x128xf32, #tpu.memory_space<vmem>>, vector<16xf32>,
        %add3A_327 = arith.addf %add3A_277, %get3A_326 : vector<16xf32>
        %mul3A_328 = arith.mulf %get3A_326, %get3A_326 : vector<16xf32>
        %add3A_329 = arith.addf %add3A_323, %mul3A_328 : vector<16xf32>
        %get3A_330 = arith.index_cast %scan3A_287 : i32 to index
        %get3A_331 = arith.constant 112 : index
        %get3A_332 = tpu.vector_load %arg8[%get3A_330, %get3A_331] {strides = array<i32>} : memref<100x128xf32, #tpu.memory_space<vmem>>, vector<16xf32>,
        %add3A_333 = arith.addf %add3A_283, %get3A_332 : vector<16xf32>
        %mul3A_334 = arith.mulf %get3A_332, %get3A_332 : vector<16xf32>
        %add3A_335 = arith.addf %add3A_329, %mul3A_334 : vector<16xf32>
        %scan3A_336 = arith.constant 2 : i32
        %scan3A_337 = arith.addi %scan3A_229, %scan3A_336 : i32
        %get3A_338 = arith.index_cast %scan3A_337 : i32 to index
        %get3A_339 = arith.constant 0 : index
        %get3A_340 = tpu.vector_load %arg8[%get3A_338, %get3A_339] {strides = array<i32>} : memref<100x128xf32, #tpu.memory_space<vmem>>, vector<16xf32>,
        %add3A_341 = arith.addf %add3A_291, %get3A_340 : vector<16xf32>
        %mul3A_342 = arith.mulf %get3A_340, %get3A_340 : vector<16xf32>
        %add3A_343 = arith.addf %add3A_335, %mul3A_342 : vector<16xf32>
        %get3A_344 = arith.index_cast %scan3A_337 : i32 to index
        %get3A_345 = arith.constant 16 : index
        %get3A_346 = tpu.vector_load %arg8[%get3A_344, %get3A_345] {strides = array<i32>} : memref<100x128xf32, #tpu.memory_space<vmem>>, vector<16xf32>,
        %add3A_347 = arith.addf %add3A_297, %get3A_346 : vector<16xf32>
        %mul3A_348 = arith.mulf %get3A_346, %get3A_346 : vector<16xf32>
        %add3A_349 = arith.addf %add3A_343, %mul3A_348 : vector<16xf32>
        %get3A_350 = arith.index_cast %scan3A_337 : i32 to index
        %get3A_351 = arith.constant 32 : index
        %get3A_352 = tpu.vector_load %arg8[%get3A_350, %get3A_351] {strides = array<i32>} : memref<100x128xf32, #tpu.memory_space<vmem>>, vector<16xf32>,
        %add3A_353 = arith.addf %add3A_303, %get3A_352 : vector<16xf32>
        %mul3A_354 = arith.mulf %get3A_352, %get3A_352 : vector<16xf32>
        %add3A_355 = arith.addf %add3A_349, %mul3A_354 : vector<16xf32>
        %get3A_356 = arith.index_cast %scan3A_337 : i32 to index
        %get3A_357 = arith.constant 48 : index
        %get3A_358 = tpu.vector_load %arg8[%get3A_356, %get3A_357] {strides = array<i32>} : memref<100x128xf32, #tpu.memory_space<vmem>>, vector<16xf32>,
        %add3A_359 = arith.addf %add3A_309, %get3A_358 : vector<16xf32>
        %mul3A_360 = arith.mulf %get3A_358, %get3A_358 : vector<16xf32>
        %add3A_361 = arith.addf %add3A_355, %mul3A_360 : vector<16xf32>
        %get3A_362 = arith.index_cast %scan3A_337 : i32 to index
        %get3A_363 = arith.constant 64 : index
        %get3A_364 = tpu.vector_load %arg8[%get3A_362, %get3A_363] {strides = array<i32>} : memref<100x128xf32, #tpu.memory_space<vmem>>, vector<16xf32>,
        %add3A_365 = arith.addf %add3A_315, %get3A_364 : vector<16xf32>
        %mul3A_366 = arith.mulf %get3A_364, %get3A_364 : vector<16xf32>
        %add3A_367 = arith.addf %add3A_361, %mul3A_366 : vector<16xf32>
        %get3A_368 = arith.index_cast %scan3A_337 : i32 to index
        %get3A_369 = arith.constant 80 : index
        %get3A_370 = tpu.vector_load %arg8[%get3A_368, %get3A_369] {strides = array<i32>} : memref<100x128xf32, #tpu.memory_space<vmem>>, vector<16xf32>,
        %add3A_371 = arith.addf %add3A_321, %get3A_370 : vector<16xf32>
        %mul3A_372 = arith.mulf %get3A_370, %get3A_370 : vector<16xf32>
        %add3A_373 = arith.addf %add3A_367, %mul3A_372 : vector<16xf32>
        %get3A_374 = arith.index_cast %scan3A_337 : i32 to index
        %get3A_375 = arith.constant 96 : index
        %get3A_376 = tpu.vector_load %arg8[%get3A_374, %get3A_375] {strides = array<i32>} : memref<100x128xf32, #tpu.memory_space<vmem>>, vector<16xf32>,
        %add3A_377 = arith.addf %add3A_327, %get3A_376 : vector<16xf32>
        %mul3A_378 = arith.mulf %get3A_376, %get3A_376 : vector<16xf32>
        %add3A_379 = arith.addf %add3A_373, %mul3A_378 : vector<16xf32>
        %get3A_380 = arith.index_cast %scan3A_337 : i32 to index
        %get3A_381 = arith.constant 112 : index
        %get3A_382 = tpu.vector_load %arg8[%get3A_380, %get3A_381] {strides = array<i32>} : memref<100x128xf32, #tpu.memory_space<vmem>>, vector<16xf32>,
        %add3A_383 = arith.addf %add3A_333, %get3A_382 : vector<16xf32>
        %mul3A_384 = arith.mulf %get3A_382, %get3A_382 : vector<16xf32>
        %add3A_385 = arith.addf %add3A_379, %mul3A_384 : vector<16xf32>
        %scan3A_386 = arith.constant 3 : i32
        %scan3A_387 = arith.addi %scan3A_229, %scan3A_386 : i32
        %get3A_388 = arith.index_cast %scan3A_387 : i32 to index
        %get3A_389 = arith.constant 0 : index
        %get3A_390 = tpu.vector_load %arg8[%get3A_388, %get3A_389] {strides = array<i32>} : memref<100x128xf32, #tpu.memory_space<vmem>>, vector<16xf32>,
        %add3A_391 = arith.addf %add3A_341, %get3A_390 : vector<16xf32>
        %mul3A_392 = arith.mulf %get3A_390, %get3A_390 : vector<16xf32>
        %add3A_393 = arith.addf %add3A_385, %mul3A_392 : vector<16xf32>
        %get3A_394 = arith.index_cast %scan3A_387 : i32 to index
        %get3A_395 = arith.constant 16 : index
        %get3A_396 = tpu.vector_load %arg8[%get3A_394, %get3A_395] {strides = array<i32>} : memref<100x128xf32, #tpu.memory_space<vmem>>, vector<16xf32>,
        %add3A_397 = arith.addf %add3A_347, %get3A_396 : vector<16xf32>
        %mul3A_398 = arith.mulf %get3A_396, %get3A_396 : vector<16xf32>
        %add3A_399 = arith.addf %add3A_393, %mul3A_398 : vector<16xf32>
        %get3A_400 = arith.index_cast %scan3A_387 : i32 to index
        %get3A_401 = arith.constant 32 : index
        %get3A_402 = tpu.vector_load %arg8[%get3A_400, %get3A_401] {strides = array<i32>} : memref<100x128xf32, #tpu.memory_space<vmem>>, vector<16xf32>,
        %add3A_403 = arith.addf %add3A_353, %get3A_402 : vector<16xf32>
        %mul3A_404 = arith.mulf %get3A_402, %get3A_402 : vector<16xf32>
        %add3A_405 = arith.addf %add3A_399, %mul3A_404 : vector<16xf32>
        %get3A_406 = arith.index_cast %scan3A_387 : i32 to index
        %get3A_407 = arith.constant 48 : index
        %get3A_408 = tpu.vector_load %arg8[%get3A_406, %get3A_407] {strides = array<i32>} : memref<100x128xf32, #tpu.memory_space<vmem>>, vector<16xf32>,
        %add3A_409 = arith.addf %add3A_359, %get3A_408 : vector<16xf32>
        %mul3A_410 = arith.mulf %get3A_408, %get3A_408 : vector<16xf32>
        %add3A_411 = arith.addf %add3A_405, %mul3A_410 : vector<16xf32>
        %get3A_412 = arith.index_cast %scan3A_387 : i32 to index
        %get3A_413 = arith.constant 64 : index
        %get3A_414 = tpu.vector_load %arg8[%get3A_412, %get3A_413] {strides = array<i32>} : memref<100x128xf32, #tpu.memory_space<vmem>>, vector<16xf32>,
        %add3A_415 = arith.addf %add3A_365, %get3A_414 : vector<16xf32>
        %mul3A_416 = arith.mulf %get3A_414, %get3A_414 : vector<16xf32>
        %add3A_417 = arith.addf %add3A_411, %mul3A_416 : vector<16xf32>
        %get3A_418 = arith.index_cast %scan3A_387 : i32 to index
        %get3A_419 = arith.constant 80 : index
        %get3A_420 = tpu.vector_load %arg8[%get3A_418, %get3A_419] {strides = array<i32>} : memref<100x128xf32, #tpu.memory_space<vmem>>, vector<16xf32>,
        %add3A_421 = arith.addf %add3A_371, %get3A_420 : vector<16xf32>
        %mul3A_422 = arith.mulf %get3A_420, %get3A_420 : vector<16xf32>
        %add3A_423 = arith.addf %add3A_417, %mul3A_422 : vector<16xf32>
        %get3A_424 = arith.index_cast %scan3A_387 : i32 to index
        %get3A_425 = arith.constant 96 : index
        %get3A_426 = tpu.vector_load %arg8[%get3A_424, %get3A_425] {strides = array<i32>} : memref<100x128xf32, #tpu.memory_space<vmem>>, vector<16xf32>,
        %add3A_427 = arith.addf %add3A_377, %get3A_426 : vector<16xf32>
        %mul3A_428 = arith.mulf %get3A_426, %get3A_426 : vector<16xf32>
        %add3A_429 = arith.addf %add3A_423, %mul3A_428 : vector<16xf32>
        %get3A_430 = arith.index_cast %scan3A_387 : i32 to index
        %get3A_431 = arith.constant 112 : index
        %get3A_432 = tpu.vector_load %arg8[%get3A_430, %get3A_431] {strides = array<i32>} : memref<100x128xf32, #tpu.memory_space<vmem>>, vector<16xf32>,
        %add3A_433 = arith.addf %add3A_383, %get3A_432 : vector<16xf32>
        %mul3A_434 = arith.mulf %get3A_432, %get3A_432 : vector<16xf32>
        %add3A_435 = arith.addf %add3A_429, %mul3A_434 : vector<16xf32>
        scf.yield %add3A_391, %add3A_397, %add3A_403, %add3A_409, %add3A_415, %add3A_421, %add3A_427, %add3A_433, %add3A_435 : vector<16xf32>, vector<16xf32>, vector<16xf32>, vector<16xf32>, vector<16xf32>, vector<16xf32>, vector<16xf32>, vector<16xf32>, vector<16xf32>
      }
      %scan3A_144 = arith.constant 100 : i32
      %mul3A_145 = arith.mulf %scan3A_143#0, %scan3A_143#0 : vector<16xf32>
      %mul3A_146 = arith.mulf %scan3A_143#1, %scan3A_143#1 : vector<16xf32>
      %add3A_147 = arith.addf %mul3A_145, %mul3A_146 : vector<16xf32>
      %mul3A_148 = arith.mulf %scan3A_143#2, %scan3A_143#2 : vector<16xf32>
      %add3A_149 = arith.addf %add3A_147, %mul3A_148 : vector<16xf32>
      %mul3A_150 = arith.mulf %scan3A_143#3, %scan3A_143#3 : vector<16xf32>
      %add3A_151 = arith.addf %add3A_149, %mul3A_150 : vector<16xf32>
      %mul3A_152 = arith.mulf %scan3A_143#4, %scan3A_143#4 : vector<16xf32>
      %add3A_153 = arith.addf %add3A_151, %mul3A_152 : vector<16xf32>
      %mul3A_154 = arith.mulf %scan3A_143#5, %scan3A_143#5 : vector<16xf32>
      %add3A_155 = arith.addf %add3A_153, %mul3A_154 : vector<16xf32>
      %mul3A_156 = arith.mulf %scan3A_143#6, %scan3A_143#6 : vector<16xf32>
      %add3A_157 = arith.addf %add3A_155, %mul3A_156 : vector<16xf32>
      %mul3A_158 = arith.mulf %scan3A_143#7, %scan3A_143#7 : vector<16xf32>
      %add3A_159 = arith.addf %add3A_157, %mul3A_158 : vector<16xf32>
      %sub3A_160 = arith.subf %add3A_159, %scan3A_143#8 : vector<16xf32>
      %mul3A_161 = arith.constant 5.000000e-01 : f32
      %mul3A_162 = vector.broadcast %mul3A_161 : f32 to vector<16xf32>
      %mul3A_163 = arith.mulf %mul3A_162, %sub3A_160 : vector<16xf32>
      %broadcast_in_dim3A_164 = arith.constant true
      %broadcast_in_dim3A_165 = vector.broadcast %broadcast_in_dim3A_164 : i1 to vector<16xi1>
      %masked_cumsum3A_166 = tpu.scan <sum>, %mul3A_163 masked %broadcast_in_dim3A_165 : vector<16xf32>, vector<16xi1> -> vector<16xf32>
      %iota3A_167 = tpu.iota {dimensions = array<i32: 0>} : vector<16xi32>
      %broadcast_in_dim3A_168 = vector.broadcast %add3A_130 : i32 to vector<16xi32>
      %eq3A_169 = arith.constant 15 : i32
      %eq3A_170 = vector.broadcast %eq3A_169 : i32 to vector<16xi32>
      %eq3A_171 = arith.cmpi eq, %iota3A_167, %eq3A_170 : vector<16xi32>
      tpu.vector_store_idx %arg10[%broadcast_in_dim3A_168], %masked_cumsum3A_166 masked %eq3A_171 : memref<512xf32, #tpu.memory_space<vmem>>[vector<16xi32>], vector<16xf32>, vector<16xi1>
      %add3A_172 = arith.constant 4 : i32
      %add3A_173 = arith.addi %add3A_130, %add3A_172 : i32
      %lt3A_174 = arith.constant 512 : i32
      %lt3A_175 = arith.cmpi slt, %add3A_173, %lt3A_174 : i32
      %convert_element_type3A_176 = arith.extui %lt3A_175 : i1 to i32
      %cond3A_177 = arith.constant 0 : i32
      %cond3A_178 = arith.cmpi ne, %convert_element_type3A_176, %cond3A_177 : i32
      scf.if %cond3A_178 {
        %add3A_229 = arith.constant 4 : i32
        %add3A_230 = arith.addi %add3A_130, %add3A_229 : i32
        %dma_start3A_231 = arith.constant 0 : i32
        %dma_start3A_232 = tpu.memref_slice %arg5[%add3A_230, %dma_start3A_231] : memref<512x128xi32, #tpu.memory_space<vmem>> -> memref<1x100xi32, #tpu.memory_space<vmem>>
        %dma_start3A_233 = tpu.memref_squeeze %dma_start3A_232 : memref<1x100xi32, #tpu.memory_space<vmem>> -> memref<100xi32, #tpu.memory_space<vmem>>
        %dma_start3A_234 = arith.constant 0 : i32
        %dma_start3A_235 = arith.constant 0 : i32
        %dma_start3A_236 = tpu.memref_slice %arg2[%dma_start3A_234, %dma_start3A_235] : memref<100000x128xf32, #tpu.memory_space<hbm>> -> memref<100000x128xf32, #tpu.memory_space<hbm>>
        tpu.enqueue_indirect_dma source(%dma_start3A_236 : memref<100000x128xf32, #tpu.memory_space<hbm>>) target(%arg8 : memref<100x128xf32, #tpu.memory_space<vmem>>) offsets(%dma_start3A_233 : memref<100xi32, #tpu.memory_space<vmem>>) semaphore(%arg13 : memref<!tpu.dma_semaphore, #tpu.memory_space<semaphore_mem>>)
      } else {
      }
      %add3A_179 = arith.constant 3 : i32
      %add3A_180 = arith.addi %mul3A_37, %add3A_179 : i32
      %dma_wait3A_181 = arith.constant 0 : i32
      %dma_wait3A_182 = tpu.memref_slice %arg5[%add3A_180, %dma_wait3A_181] : memref<512x128xi32, #tpu.memory_space<vmem>> -> memref<1x100xi32, #tpu.memory_space<vmem>>
      %dma_wait3A_183 = tpu.memref_squeeze %dma_wait3A_182 : memref<1x100xi32, #tpu.memory_space<vmem>> -> memref<100xi32, #tpu.memory_space<vmem>>
      %dma_wait3A_184 = arith.constant 0 : i32
      %dma_wait3A_185 = arith.constant 0 : i32
      %dma_wait3A_186 = tpu.memref_slice %arg2[%dma_wait3A_184, %dma_wait3A_185] : memref<100000x128xf32, #tpu.memory_space<hbm>> -> memref<100000x128xf32, #tpu.memory_space<hbm>>
      tpu.wait_indirect_dma semaphore(%arg14 : memref<!tpu.dma_semaphore, #tpu.memory_space<semaphore_mem>>) src(%dma_wait3A_186 : memref<100000x128xf32, #tpu.memory_space<hbm>>) dst(%arg9 : memref<100x128xf32, #tpu.memory_space<vmem>>)
      %broadcast_in_dim3A_187 = arith.constant 0.000000e+00 : f32
      %broadcast_in_dim3A_188 = vector.broadcast %broadcast_in_dim3A_187 : f32 to vector<16xf32>
      %scan3A_189 = arith.constant 0 : i32
      %scan3A_190 = arith.constant 100 : i32
      %scan3A_191 = arith.addi %scan3A_189, %scan3A_190 : i32
      %scan3A_192 = arith.constant 4 : i32
      %scan3A_193:9 = scf.for %scan3A_229 = %scan3A_189 to %scan3A_191 step %scan3A_192 iter_args(%scan3A_230 = %broadcast_in_dim3A_188, %scan3A_231 = %broadcast_in_dim3A_188, %scan3A_232 = %broadcast_in_dim3A_188, %scan3A_233 = %broadcast_in_dim3A_188, %scan3A_234 = %broadcast_in_dim3A_188, %scan3A_235 = %broadcast_in_dim3A_188, %scan3A_236 = %broadcast_in_dim3A_188, %scan3A_237 = %broadcast_in_dim3A_188, %scan3A_238 = %broadcast_in_dim3A_188) -> (vector<16xf32>, vector<16xf32>, vector<16xf32>, vector<16xf32>, vector<16xf32>, vector<16xf32>, vector<16xf32>, vector<16xf32>, vector<16xf32>)  : i32 {
        %get3A = arith.index_cast %scan3A_229 : i32 to index
        %get3A_239 = arith.constant 0 : index
        %get3A_240 = tpu.vector_load %arg9[%get3A, %get3A_239] {strides = array<i32>} : memref<100x128xf32, #tpu.memory_space<vmem>>, vector<16xf32>,
        %add3A_241 = arith.addf %scan3A_230, %get3A_240 : vector<16xf32>
        %mul3A_242 = arith.mulf %get3A_240, %get3A_240 : vector<16xf32>
        %add3A_243 = arith.addf %scan3A_238, %mul3A_242 : vector<16xf32>
        %get3A_244 = arith.index_cast %scan3A_229 : i32 to index
        %get3A_245 = arith.constant 16 : index
        %get3A_246 = tpu.vector_load %arg9[%get3A_244, %get3A_245] {strides = array<i32>} : memref<100x128xf32, #tpu.memory_space<vmem>>, vector<16xf32>,
        %add3A_247 = arith.addf %scan3A_231, %get3A_246 : vector<16xf32>
        %mul3A_248 = arith.mulf %get3A_246, %get3A_246 : vector<16xf32>
        %add3A_249 = arith.addf %add3A_243, %mul3A_248 : vector<16xf32>
        %get3A_250 = arith.index_cast %scan3A_229 : i32 to index
        %get3A_251 = arith.constant 32 : index
        %get3A_252 = tpu.vector_load %arg9[%get3A_250, %get3A_251] {strides = array<i32>} : memref<100x128xf32, #tpu.memory_space<vmem>>, vector<16xf32>,
        %add3A_253 = arith.addf %scan3A_232, %get3A_252 : vector<16xf32>
        %mul3A_254 = arith.mulf %get3A_252, %get3A_252 : vector<16xf32>
        %add3A_255 = arith.addf %add3A_249, %mul3A_254 : vector<16xf32>
        %get3A_256 = arith.index_cast %scan3A_229 : i32 to index
        %get3A_257 = arith.constant 48 : index
        %get3A_258 = tpu.vector_load %arg9[%get3A_256, %get3A_257] {strides = array<i32>} : memref<100x128xf32, #tpu.memory_space<vmem>>, vector<16xf32>,
        %add3A_259 = arith.addf %scan3A_233, %get3A_258 : vector<16xf32>
        %mul3A_260 = arith.mulf %get3A_258, %get3A_258 : vector<16xf32>
        %add3A_261 = arith.addf %add3A_255, %mul3A_260 : vector<16xf32>
        %get3A_262 = arith.index_cast %scan3A_229 : i32 to index
        %get3A_263 = arith.constant 64 : index
        %get3A_264 = tpu.vector_load %arg9[%get3A_262, %get3A_263] {strides = array<i32>} : memref<100x128xf32, #tpu.memory_space<vmem>>, vector<16xf32>,
        %add3A_265 = arith.addf %scan3A_234, %get3A_264 : vector<16xf32>
        %mul3A_266 = arith.mulf %get3A_264, %get3A_264 : vector<16xf32>
        %add3A_267 = arith.addf %add3A_261, %mul3A_266 : vector<16xf32>
        %get3A_268 = arith.index_cast %scan3A_229 : i32 to index
        %get3A_269 = arith.constant 80 : index
        %get3A_270 = tpu.vector_load %arg9[%get3A_268, %get3A_269] {strides = array<i32>} : memref<100x128xf32, #tpu.memory_space<vmem>>, vector<16xf32>,
        %add3A_271 = arith.addf %scan3A_235, %get3A_270 : vector<16xf32>
        %mul3A_272 = arith.mulf %get3A_270, %get3A_270 : vector<16xf32>
        %add3A_273 = arith.addf %add3A_267, %mul3A_272 : vector<16xf32>
        %get3A_274 = arith.index_cast %scan3A_229 : i32 to index
        %get3A_275 = arith.constant 96 : index
        %get3A_276 = tpu.vector_load %arg9[%get3A_274, %get3A_275] {strides = array<i32>} : memref<100x128xf32, #tpu.memory_space<vmem>>, vector<16xf32>,
        %add3A_277 = arith.addf %scan3A_236, %get3A_276 : vector<16xf32>
        %mul3A_278 = arith.mulf %get3A_276, %get3A_276 : vector<16xf32>
        %add3A_279 = arith.addf %add3A_273, %mul3A_278 : vector<16xf32>
        %get3A_280 = arith.index_cast %scan3A_229 : i32 to index
        %get3A_281 = arith.constant 112 : index
        %get3A_282 = tpu.vector_load %arg9[%get3A_280, %get3A_281] {strides = array<i32>} : memref<100x128xf32, #tpu.memory_space<vmem>>, vector<16xf32>,
        %add3A_283 = arith.addf %scan3A_237, %get3A_282 : vector<16xf32>
        %mul3A_284 = arith.mulf %get3A_282, %get3A_282 : vector<16xf32>
        %add3A_285 = arith.addf %add3A_279, %mul3A_284 : vector<16xf32>
        %scan3A_286 = arith.constant 1 : i32
        %scan3A_287 = arith.addi %scan3A_229, %scan3A_286 : i32
        %get3A_288 = arith.index_cast %scan3A_287 : i32 to index
        %get3A_289 = arith.constant 0 : index
        %get3A_290 = tpu.vector_load %arg9[%get3A_288, %get3A_289] {strides = array<i32>} : memref<100x128xf32, #tpu.memory_space<vmem>>, vector<16xf32>,
        %add3A_291 = arith.addf %add3A_241, %get3A_290 : vector<16xf32>
        %mul3A_292 = arith.mulf %get3A_290, %get3A_290 : vector<16xf32>
        %add3A_293 = arith.addf %add3A_285, %mul3A_292 : vector<16xf32>
        %get3A_294 = arith.index_cast %scan3A_287 : i32 to index
        %get3A_295 = arith.constant 16 : index
        %get3A_296 = tpu.vector_load %arg9[%get3A_294, %get3A_295] {strides = array<i32>} : memref<100x128xf32, #tpu.memory_space<vmem>>, vector<16xf32>,
        %add3A_297 = arith.addf %add3A_247, %get3A_296 : vector<16xf32>
        %mul3A_298 = arith.mulf %get3A_296, %get3A_296 : vector<16xf32>
        %add3A_299 = arith.addf %add3A_293, %mul3A_298 : vector<16xf32>
        %get3A_300 = arith.index_cast %scan3A_287 : i32 to index
        %get3A_301 = arith.constant 32 : index
        %get3A_302 = tpu.vector_load %arg9[%get3A_300, %get3A_301] {strides = array<i32>} : memref<100x128xf32, #tpu.memory_space<vmem>>, vector<16xf32>,
        %add3A_303 = arith.addf %add3A_253, %get3A_302 : vector<16xf32>
        %mul3A_304 = arith.mulf %get3A_302, %get3A_302 : vector<16xf32>
        %add3A_305 = arith.addf %add3A_299, %mul3A_304 : vector<16xf32>
        %get3A_306 = arith.index_cast %scan3A_287 : i32 to index
        %get3A_307 = arith.constant 48 : index
        %get3A_308 = tpu.vector_load %arg9[%get3A_306, %get3A_307] {strides = array<i32>} : memref<100x128xf32, #tpu.memory_space<vmem>>, vector<16xf32>,
        %add3A_309 = arith.addf %add3A_259, %get3A_308 : vector<16xf32>
        %mul3A_310 = arith.mulf %get3A_308, %get3A_308 : vector<16xf32>
        %add3A_311 = arith.addf %add3A_305, %mul3A_310 : vector<16xf32>
        %get3A_312 = arith.index_cast %scan3A_287 : i32 to index
        %get3A_313 = arith.constant 64 : index
        %get3A_314 = tpu.vector_load %arg9[%get3A_312, %get3A_313] {strides = array<i32>} : memref<100x128xf32, #tpu.memory_space<vmem>>, vector<16xf32>,
        %add3A_315 = arith.addf %add3A_265, %get3A_314 : vector<16xf32>
        %mul3A_316 = arith.mulf %get3A_314, %get3A_314 : vector<16xf32>
        %add3A_317 = arith.addf %add3A_311, %mul3A_316 : vector<16xf32>
        %get3A_318 = arith.index_cast %scan3A_287 : i32 to index
        %get3A_319 = arith.constant 80 : index
        %get3A_320 = tpu.vector_load %arg9[%get3A_318, %get3A_319] {strides = array<i32>} : memref<100x128xf32, #tpu.memory_space<vmem>>, vector<16xf32>,
        %add3A_321 = arith.addf %add3A_271, %get3A_320 : vector<16xf32>
        %mul3A_322 = arith.mulf %get3A_320, %get3A_320 : vector<16xf32>
        %add3A_323 = arith.addf %add3A_317, %mul3A_322 : vector<16xf32>
        %get3A_324 = arith.index_cast %scan3A_287 : i32 to index
        %get3A_325 = arith.constant 96 : index
        %get3A_326 = tpu.vector_load %arg9[%get3A_324, %get3A_325] {strides = array<i32>} : memref<100x128xf32, #tpu.memory_space<vmem>>, vector<16xf32>,
        %add3A_327 = arith.addf %add3A_277, %get3A_326 : vector<16xf32>
        %mul3A_328 = arith.mulf %get3A_326, %get3A_326 : vector<16xf32>
        %add3A_329 = arith.addf %add3A_323, %mul3A_328 : vector<16xf32>
        %get3A_330 = arith.index_cast %scan3A_287 : i32 to index
        %get3A_331 = arith.constant 112 : index
        %get3A_332 = tpu.vector_load %arg9[%get3A_330, %get3A_331] {strides = array<i32>} : memref<100x128xf32, #tpu.memory_space<vmem>>, vector<16xf32>,
        %add3A_333 = arith.addf %add3A_283, %get3A_332 : vector<16xf32>
        %mul3A_334 = arith.mulf %get3A_332, %get3A_332 : vector<16xf32>
        %add3A_335 = arith.addf %add3A_329, %mul3A_334 : vector<16xf32>
        %scan3A_336 = arith.constant 2 : i32
        %scan3A_337 = arith.addi %scan3A_229, %scan3A_336 : i32
        %get3A_338 = arith.index_cast %scan3A_337 : i32 to index
        %get3A_339 = arith.constant 0 : index
        %get3A_340 = tpu.vector_load %arg9[%get3A_338, %get3A_339] {strides = array<i32>} : memref<100x128xf32, #tpu.memory_space<vmem>>, vector<16xf32>,
        %add3A_341 = arith.addf %add3A_291, %get3A_340 : vector<16xf32>
        %mul3A_342 = arith.mulf %get3A_340, %get3A_340 : vector<16xf32>
        %add3A_343 = arith.addf %add3A_335, %mul3A_342 : vector<16xf32>
        %get3A_344 = arith.index_cast %scan3A_337 : i32 to index
        %get3A_345 = arith.constant 16 : index
        %get3A_346 = tpu.vector_load %arg9[%get3A_344, %get3A_345] {strides = array<i32>} : memref<100x128xf32, #tpu.memory_space<vmem>>, vector<16xf32>,
        %add3A_347 = arith.addf %add3A_297, %get3A_346 : vector<16xf32>
        %mul3A_348 = arith.mulf %get3A_346, %get3A_346 : vector<16xf32>
        %add3A_349 = arith.addf %add3A_343, %mul3A_348 : vector<16xf32>
        %get3A_350 = arith.index_cast %scan3A_337 : i32 to index
        %get3A_351 = arith.constant 32 : index
        %get3A_352 = tpu.vector_load %arg9[%get3A_350, %get3A_351] {strides = array<i32>} : memref<100x128xf32, #tpu.memory_space<vmem>>, vector<16xf32>,
        %add3A_353 = arith.addf %add3A_303, %get3A_352 : vector<16xf32>
        %mul3A_354 = arith.mulf %get3A_352, %get3A_352 : vector<16xf32>
        %add3A_355 = arith.addf %add3A_349, %mul3A_354 : vector<16xf32>
        %get3A_356 = arith.index_cast %scan3A_337 : i32 to index
        %get3A_357 = arith.constant 48 : index
        %get3A_358 = tpu.vector_load %arg9[%get3A_356, %get3A_357] {strides = array<i32>} : memref<100x128xf32, #tpu.memory_space<vmem>>, vector<16xf32>,
        %add3A_359 = arith.addf %add3A_309, %get3A_358 : vector<16xf32>
        %mul3A_360 = arith.mulf %get3A_358, %get3A_358 : vector<16xf32>
        %add3A_361 = arith.addf %add3A_355, %mul3A_360 : vector<16xf32>
        %get3A_362 = arith.index_cast %scan3A_337 : i32 to index
        %get3A_363 = arith.constant 64 : index
        %get3A_364 = tpu.vector_load %arg9[%get3A_362, %get3A_363] {strides = array<i32>} : memref<100x128xf32, #tpu.memory_space<vmem>>, vector<16xf32>,
        %add3A_365 = arith.addf %add3A_315, %get3A_364 : vector<16xf32>
        %mul3A_366 = arith.mulf %get3A_364, %get3A_364 : vector<16xf32>
        %add3A_367 = arith.addf %add3A_361, %mul3A_366 : vector<16xf32>
        %get3A_368 = arith.index_cast %scan3A_337 : i32 to index
        %get3A_369 = arith.constant 80 : index
        %get3A_370 = tpu.vector_load %arg9[%get3A_368, %get3A_369] {strides = array<i32>} : memref<100x128xf32, #tpu.memory_space<vmem>>, vector<16xf32>,
        %add3A_371 = arith.addf %add3A_321, %get3A_370 : vector<16xf32>
        %mul3A_372 = arith.mulf %get3A_370, %get3A_370 : vector<16xf32>
        %add3A_373 = arith.addf %add3A_367, %mul3A_372 : vector<16xf32>
        %get3A_374 = arith.index_cast %scan3A_337 : i32 to index
        %get3A_375 = arith.constant 96 : index
        %get3A_376 = tpu.vector_load %arg9[%get3A_374, %get3A_375] {strides = array<i32>} : memref<100x128xf32, #tpu.memory_space<vmem>>, vector<16xf32>,
        %add3A_377 = arith.addf %add3A_327, %get3A_376 : vector<16xf32>
        %mul3A_378 = arith.mulf %get3A_376, %get3A_376 : vector<16xf32>
        %add3A_379 = arith.addf %add3A_373, %mul3A_378 : vector<16xf32>
        %get3A_380 = arith.index_cast %scan3A_337 : i32 to index
        %get3A_381 = arith.constant 112 : index
        %get3A_382 = tpu.vector_load %arg9[%get3A_380, %get3A_381] {strides = array<i32>} : memref<100x128xf32, #tpu.memory_space<vmem>>, vector<16xf32>,
        %add3A_383 = arith.addf %add3A_333, %get3A_382 : vector<16xf32>
        %mul3A_384 = arith.mulf %get3A_382, %get3A_382 : vector<16xf32>
        %add3A_385 = arith.addf %add3A_379, %mul3A_384 : vector<16xf32>
        %scan3A_386 = arith.constant 3 : i32
        %scan3A_387 = arith.addi %scan3A_229, %scan3A_386 : i32
        %get3A_388 = arith.index_cast %scan3A_387 : i32 to index
        %get3A_389 = arith.constant 0 : index
        %get3A_390 = tpu.vector_load %arg9[%get3A_388, %get3A_389] {strides = array<i32>} : memref<100x128xf32, #tpu.memory_space<vmem>>, vector<16xf32>,
        %add3A_391 = arith.addf %add3A_341, %get3A_390 : vector<16xf32>
        %mul3A_392 = arith.mulf %get3A_390, %get3A_390 : vector<16xf32>
        %add3A_393 = arith.addf %add3A_385, %mul3A_392 : vector<16xf32>
        %get3A_394 = arith.index_cast %scan3A_387 : i32 to index
        %get3A_395 = arith.constant 16 : index
        %get3A_396 = tpu.vector_load %arg9[%get3A_394, %get3A_395] {strides = array<i32>} : memref<100x128xf32, #tpu.memory_space<vmem>>, vector<16xf32>,
        %add3A_397 = arith.addf %add3A_347, %get3A_396 : vector<16xf32>
        %mul3A_398 = arith.mulf %get3A_396, %get3A_396 : vector<16xf32>
        %add3A_399 = arith.addf %add3A_393, %mul3A_398 : vector<16xf32>
        %get3A_400 = arith.index_cast %scan3A_387 : i32 to index
        %get3A_401 = arith.constant 32 : index
        %get3A_402 = tpu.vector_load %arg9[%get3A_400, %get3A_401] {strides = array<i32>} : memref<100x128xf32, #tpu.memory_space<vmem>>, vector<16xf32>,
        %add3A_403 = arith.addf %add3A_353, %get3A_402 : vector<16xf32>
        %mul3A_404 = arith.mulf %get3A_402, %get3A_402 : vector<16xf32>
        %add3A_405 = arith.addf %add3A_399, %mul3A_404 : vector<16xf32>
        %get3A_406 = arith.index_cast %scan3A_387 : i32 to index
        %get3A_407 = arith.constant 48 : index
        %get3A_408 = tpu.vector_load %arg9[%get3A_406, %get3A_407] {strides = array<i32>} : memref<100x128xf32, #tpu.memory_space<vmem>>, vector<16xf32>,
        %add3A_409 = arith.addf %add3A_359, %get3A_408 : vector<16xf32>
        %mul3A_410 = arith.mulf %get3A_408, %get3A_408 : vector<16xf32>
        %add3A_411 = arith.addf %add3A_405, %mul3A_410 : vector<16xf32>
        %get3A_412 = arith.index_cast %scan3A_387 : i32 to index
        %get3A_413 = arith.constant 64 : index
        %get3A_414 = tpu.vector_load %arg9[%get3A_412, %get3A_413] {strides = array<i32>} : memref<100x128xf32, #tpu.memory_space<vmem>>, vector<16xf32>,
        %add3A_415 = arith.addf %add3A_365, %get3A_414 : vector<16xf32>
        %mul3A_416 = arith.mulf %get3A_414, %get3A_414 : vector<16xf32>
        %add3A_417 = arith.addf %add3A_411, %mul3A_416 : vector<16xf32>
        %get3A_418 = arith.index_cast %scan3A_387 : i32 to index
        %get3A_419 = arith.constant 80 : index
        %get3A_420 = tpu.vector_load %arg9[%get3A_418, %get3A_419] {strides = array<i32>} : memref<100x128xf32, #tpu.memory_space<vmem>>, vector<16xf32>,
        %add3A_421 = arith.addf %add3A_371, %get3A_420 : vector<16xf32>
        %mul3A_422 = arith.mulf %get3A_420, %get3A_420 : vector<16xf32>
        %add3A_423 = arith.addf %add3A_417, %mul3A_422 : vector<16xf32>
        %get3A_424 = arith.index_cast %scan3A_387 : i32 to index
        %get3A_425 = arith.constant 96 : index
        %get3A_426 = tpu.vector_load %arg9[%get3A_424, %get3A_425] {strides = array<i32>} : memref<100x128xf32, #tpu.memory_space<vmem>>, vector<16xf32>,
        %add3A_427 = arith.addf %add3A_377, %get3A_426 : vector<16xf32>
        %mul3A_428 = arith.mulf %get3A_426, %get3A_426 : vector<16xf32>
        %add3A_429 = arith.addf %add3A_423, %mul3A_428 : vector<16xf32>
        %get3A_430 = arith.index_cast %scan3A_387 : i32 to index
        %get3A_431 = arith.constant 112 : index
        %get3A_432 = tpu.vector_load %arg9[%get3A_430, %get3A_431] {strides = array<i32>} : memref<100x128xf32, #tpu.memory_space<vmem>>, vector<16xf32>,
        %add3A_433 = arith.addf %add3A_383, %get3A_432 : vector<16xf32>
        %mul3A_434 = arith.mulf %get3A_432, %get3A_432 : vector<16xf32>
        %add3A_435 = arith.addf %add3A_429, %mul3A_434 : vector<16xf32>
        scf.yield %add3A_391, %add3A_397, %add3A_403, %add3A_409, %add3A_415, %add3A_421, %add3A_427, %add3A_433, %add3A_435 : vector<16xf32>, vector<16xf32>, vector<16xf32>, vector<16xf32>, vector<16xf32>, vector<16xf32>, vector<16xf32>, vector<16xf32>, vector<16xf32>
      }
      %scan3A_194 = arith.constant 100 : i32
      %mul3A_195 = arith.mulf %scan3A_193#0, %scan3A_193#0 : vector<16xf32>
      %mul3A_196 = arith.mulf %scan3A_193#1, %scan3A_193#1 : vector<16xf32>
      %add3A_197 = arith.addf %mul3A_195, %mul3A_196 : vector<16xf32>
      %mul3A_198 = arith.mulf %scan3A_193#2, %scan3A_193#2 : vector<16xf32>
      %add3A_199 = arith.addf %add3A_197, %mul3A_198 : vector<16xf32>
      %mul3A_200 = arith.mulf %scan3A_193#3, %scan3A_193#3 : vector<16xf32>
      %add3A_201 = arith.addf %add3A_199, %mul3A_200 : vector<16xf32>
      %mul3A_202 = arith.mulf %scan3A_193#4, %scan3A_193#4 : vector<16xf32>
      %add3A_203 = arith.addf %add3A_201, %mul3A_202 : vector<16xf32>
      %mul3A_204 = arith.mulf %scan3A_193#5, %scan3A_193#5 : vector<16xf32>
      %add3A_205 = arith.addf %add3A_203, %mul3A_204 : vector<16xf32>
      %mul3A_206 = arith.mulf %scan3A_193#6, %scan3A_193#6 : vector<16xf32>
      %add3A_207 = arith.addf %add3A_205, %mul3A_206 : vector<16xf32>
      %mul3A_208 = arith.mulf %scan3A_193#7, %scan3A_193#7 : vector<16xf32>
      %add3A_209 = arith.addf %add3A_207, %mul3A_208 : vector<16xf32>
      %sub3A_210 = arith.subf %add3A_209, %scan3A_193#8 : vector<16xf32>
      %mul3A_211 = arith.constant 5.000000e-01 : f32
      %mul3A_212 = vector.broadcast %mul3A_211 : f32 to vector<16xf32>
      %mul3A_213 = arith.mulf %mul3A_212, %sub3A_210 : vector<16xf32>
      %broadcast_in_dim3A_214 = arith.constant true
      %broadcast_in_dim3A_215 = vector.broadcast %broadcast_in_dim3A_214 : i1 to vector<16xi1>
      %masked_cumsum3A_216 = tpu.scan <sum>, %mul3A_213 masked %broadcast_in_dim3A_215 : vector<16xf32>, vector<16xi1> -> vector<16xf32>
      %iota3A_217 = tpu.iota {dimensions = array<i32: 0>} : vector<16xi32>
      %broadcast_in_dim3A_218 = vector.broadcast %add3A_180 : i32 to vector<16xi32>
      %eq3A_219 = arith.constant 15 : i32
      %eq3A_220 = vector.broadcast %eq3A_219 : i32 to vector<16xi32>
      %eq3A_221 = arith.cmpi eq, %iota3A_217, %eq3A_220 : vector<16xi32>
      tpu.vector_store_idx %arg10[%broadcast_in_dim3A_218], %masked_cumsum3A_216 masked %eq3A_221 : memref<512xf32, #tpu.memory_space<vmem>>[vector<16xi32>], vector<16xf32>, vector<16xi1>
      %add3A_222 = arith.constant 4 : i32
      %add3A_223 = arith.addi %add3A_180, %add3A_222 : i32
      %lt3A_224 = arith.constant 512 : i32
      %lt3A_225 = arith.cmpi slt, %add3A_223, %lt3A_224 : i32
      %convert_element_type3A_226 = arith.extui %lt3A_225 : i1 to i32
      %cond3A_227 = arith.constant 0 : i32
      %cond3A_228 = arith.cmpi ne, %convert_element_type3A_226, %cond3A_227 : i32
      scf.if %cond3A_228 {
        %add3A_229 = arith.constant 4 : i32
        %add3A_230 = arith.addi %add3A_180, %add3A_229 : i32
        %dma_start3A_231 = arith.constant 0 : i32
        %dma_start3A_232 = tpu.memref_slice %arg5[%add3A_230, %dma_start3A_231] : memref<512x128xi32, #tpu.memory_space<vmem>> -> memref<1x100xi32, #tpu.memory_space<vmem>>
        %dma_start3A_233 = tpu.memref_squeeze %dma_start3A_232 : memref<1x100xi32, #tpu.memory_space<vmem>> -> memref<100xi32, #tpu.memory_space<vmem>>
        %dma_start3A_234 = arith.constant 0 : i32
        %dma_start3A_235 = arith.constant 0 : i32
        %dma_start3A_236 = tpu.memref_slice %arg2[%dma_start3A_234, %dma_start3A_235] : memref<100000x128xf32, #tpu.memory_space<hbm>> -> memref<100000x128xf32, #tpu.memory_space<hbm>>
        tpu.enqueue_indirect_dma source(%dma_start3A_236 : memref<100000x128xf32, #tpu.memory_space<hbm>>) target(%arg9 : memref<100x128xf32, #tpu.memory_space<vmem>>) offsets(%dma_start3A_233 : memref<100xi32, #tpu.memory_space<vmem>>) semaphore(%arg14 : memref<!tpu.dma_semaphore, #tpu.memory_space<semaphore_mem>>)
      } else {
      }
    }
    %scan3A_34 = arith.constant 128 : i32
    "tpu.region"() ({
      %run_scoped3A = tpu.sem_alloc : memref<!tpu.dma_semaphore, #tpu.memory_space<semaphore_mem>>
      %dma_start3A_35 = tpu.memref_slice %arg4[%mul3A_2] : memref<16384xf32, #tpu.memory_space<hbm>> -> memref<512xf32, #tpu.memory_space<hbm>>
      %dma_start3A_36 = tpu.memref_slice %arg4[%mul3A_2] : memref<16384xf32, #tpu.memory_space<hbm>> -> memref<512xf32, #tpu.memory_space<hbm>>
      tpu.enqueue_dma source(%arg10 : memref<512xf32, #tpu.memory_space<vmem>>) target(%dma_start3A_36 : memref<512xf32, #tpu.memory_space<hbm>>) target_semaphore(%run_scoped3A : memref<!tpu.dma_semaphore, #tpu.memory_space<semaphore_mem>>)
      %dma_wait3A = tpu.memref_slice %arg4[%mul3A_2] : memref<16384xf32, #tpu.memory_space<hbm>> -> memref<512xf32, #tpu.memory_space<hbm>>
      %dma_wait3A_37 = tpu.memref_slice %arg4[%mul3A_2] : memref<16384xf32, #tpu.memory_space<hbm>> -> memref<512xf32, #tpu.memory_space<hbm>>
      tpu.wait_dma2 semaphore(%run_scoped3A : memref<!tpu.dma_semaphore, #tpu.memory_space<semaphore_mem>>) src(%arg10 : memref<512xf32, #tpu.memory_space<vmem>>) dst(%dma_wait3A_37 : memref<512xf32, #tpu.memory_space<hbm>>)
      tpu.yield
    }) : () -> ()
    return
  }
}

module attributes {stable_mosaic.version = 14 : i64} {
  func.func @_norm_body(%arg0: i32, %arg1: memref<10000x128xf32, #tpu.memory_space<vmem>>, %arg2: memref<10000x128xf32, #tpu.memory_space<vmem>>) attributes {dimension_semantics = [#tpu.dimension_semantics<arbitrary>], iteration_bounds = array<i64: 10>, scalar_prefetch = 0 : i64, scratch_operands = 0 : i64, tpu.core_type = #tpu.core_type<tc>, window_params = [{transform_indices = @transform_0, window_bounds = array<i64: 10000, 128>}, {transform_indices = @transform_1, window_bounds = array<i64: 10000, 128>}]} {
    %get3A = arith.constant 0 : index
    %get3A_0 = arith.constant 0 : index
    %get3A_1 = vector.load %arg1[%get3A, %get3A_0] : memref<10000x128xf32, #tpu.memory_space<vmem>>, vector<10000x128xf32>
    %mul3A = arith.mulf %get3A_1, %get3A_1 : vector<10000x128xf32>
    %reduce_sum3A = arith.constant dense<0.000000e+00> : vector<10000xf32>
    %reduce_sum3A_2 = vector.multi_reduction <add>, %mul3A, %reduce_sum3A [1] : vector<10000x128xf32> to vector<10000xf32>
    %broadcast_in_dim3A = vector.shape_cast %reduce_sum3A_2 : vector<10000xf32> to vector<10000x1xf32>
    %sqrt3A = math.sqrt %broadcast_in_dim3A : vector<10000x1xf32>
    %max3A = arith.constant 1.000000e-07 : f32
    %max3A_3 = vector.broadcast %max3A : f32 to vector<10000x1xf32>
    %max3A_4 = arith.maximumf %sqrt3A, %max3A_3 : vector<10000x1xf32>
    %div3A = arith.constant 1.000000e+00 : f32
    %div3A_5 = vector.broadcast %div3A : f32 to vector<10000x1xf32>
    %div3A_6 = arith.divf %div3A_5, %max3A_4 : vector<10000x1xf32>
    %min3A = arith.constant 1.000000e+00 : f32
    %min3A_7 = vector.broadcast %min3A : f32 to vector<10000x1xf32>
    %min3A_8 = arith.minimumf %min3A_7, %div3A_6 : vector<10000x1xf32>
    %mul3A_9 = vector.broadcast %min3A_8 : vector<10000x1xf32> to vector<10000x128xf32>
    %mul3A_10 = arith.mulf %get3A_1, %mul3A_9 : vector<10000x128xf32>
    %swap3A = arith.constant 0 : index
    %swap3A_11 = arith.constant 0 : index
    %swap3A_12 = vector.load %arg2[%swap3A, %swap3A_11] : memref<10000x128xf32, #tpu.memory_space<vmem>>, vector<10000x128xf32>
    tpu.vector_store %arg2[%swap3A, %swap3A_11], %mul3A_10 {strides = array<i32>} : memref<10000x128xf32, #tpu.memory_space<vmem>>, vector<10000x128xf32>,
    return
  }
  func.func @transform_0(%arg0: i32) -> (i32, i32) {
    %c0_i32 = arith.constant 0 : i32
    %c0_i32_0 = arith.constant 0 : i32
    return %arg0, %c0_i32 : i32, i32
  }
  func.func @transform_1(%arg0: i32) -> (i32, i32) {
    %c0_i32 = arith.constant 0 : i32
    %c0_i32_0 = arith.constant 0 : i32
    return %arg0, %c0_i32 : i32, i32
  }
}

</mosaic_0001>

<sc_bundles>
// kernel: kernel.4.cloned.1.call-start
scs
__scs_entry_jumppad:
0x0: {  	(pc) =	sbr.rel $0x88, $3  }
0x1: {  	(tag) =	ssettag $0x0;
	lr =	simm.s32 $0x1  }
0x2: {  	[smem:$0x3F9F] =	sst lr;
	_ =	strace $0xD0000000  }
0x3: {  	_ = 	snop  }
0x4: {  	_ = 	snop  }
0x5: {  	_ = 	snop  }
0x6: {  	_ = 	snop  }
0x7: {  	_ = 	snop  }
__scs_overlays_trampoline_lowered:
0x8: {  	[smem:$0x3FAE] =	sst s0  }
0x9: {  	[smem:$0x3FAF] =	sst s1  }
0xa: {  	[smem:$0x3FB0] =	sst s2  }
0xb: {  	[smem:$0x3FB1] =	sst s3  }
0xc: {  	[smem:$0x3FB2] =	sst s4  }
0xd: {  	[smem:$0x3FB3] =	sst s5  }
0xe: {  	[smem:$0x3FB4] =	sst s6  }
0xf: {  	[smem:$0x3FB5] =	sst s7  }
0x10: {  	[smem:$0x3FB6] =	sst s8  }
0x11: {  	[smem:$0x3FB7] =	sst s9;
	s0 =	simm.s32 @!p0 $0x0  }
0x12: {  	s1 =	sld [smem:$0x3F9D];
	s0 =	simm.s32 @p0 $0x1  }
0x13: {  	[smem:$0x3FB8] =	sst s0;
	s0 =	simm.s32 @!p1 $0x0  }
0x14: {  	s2 =	sld [smem:$0x3F9C];
	s0 =	simm.s32 @p1 $0x1  }
0x15: {  	[smem:$0x3FB9] =	sst s0;
	s0 =	simm.s32 @!p2 $0x0  }
0x16: {  	s3 =	sld [smem:$0x3FDB];
	s0 =	simm.s32 @p2 $0x1  }
0x17: {  	s4 =	simm.s32 $0x1BF5;
	[smem:$0x3FBB] =	sst s0  }
0x18: {  	s0 =	sld [smem:$0x3F9E];
	_ =	swait.ge [sflag:s4], $0x0  }
0x19: {  	s7 =	sld [smem:$0x3F9F]  }
0x1a: {  	s8 =	sadd.s32 $0xFFFFE003, lr  }
0x1b: {  	s9 =	sadd.s32 $0xFFFFFEF7, lr;
	s5 =	simm.s32 $0xFFFFFFFF;
	p2 =	slt.u32 s8, $0xFFFFF086  }
0x1c: {  	p1 =	slt.u32 s9, $0xF7A;
	s5 =	simm.s32 @!p2 $0x0  }
0x1d: {  	s5 =	simm.s32 @p1 $0x1;
	p0 =	seq.s32 s7, s2  }
0x1e: {  	s7 =	smul.u32 @!p0 $0xF7A, s2;
	p2 =	seq.s32 @!p0 s5, $0x0  }
0x1f: {  	s9 =	smul.u32 $0xF7A, s1;
	s8 =	simm.s32 @!p0 $0x1BF5;
	p2 =	por !p2, p0  }
0x20: {  	[sflag:s8] =	ssyncset.s32 @!p0 $0xFFFFF086;
	s6 =	sadd.s32 @!p0 s3, s7;
	s7 =	simm.s32 @!p0 $0x108  }
0x21: {  	s3 =	sadd.s32 s3, s9;
	s6 =	sadd.s32 @!p0 $0x88, s6;
	s7 =	simm.s32 @p2 $0x1082  }
0x22: {  	[simem:s7], [sflag:s8] =	dma.local @!p0 [hbm:s6], $0xF7A  }
0x23: {  	s9 =	sor.u32 $0xD0000000, s2;
	s6 =	simm.s32 $0x108;
	_ =	swait.ge @!p0 [sflag:s8], $0x0  }
0x24: {  	s3 =	sadd.s32 $0x88, s3;
	s6 =	simm.s32 @!p1 $0x1082;
	[sflag:s4] =	ssyncset.s32 $0xFFFFF086  }
0x25: {  	[simem:s6], [sflag:s4] =	dma.local [hbm:s3], $0xF7A  }
0x26: {  	[smem:$0x3F9F] =	sst s1;
	(tag) =	ssettag s2;
	_ =	strace s9  }
0x27: {  	s1 =	sld [smem:$0x3FAF]  }
0x28: {  	s2 =	sld [smem:$0x3FB0]  }
0x29: {  	s4 =	sld [smem:$0x3FB2]  }
0x2a: {  	p0 =	seq.s32 s5, $0x0;
	s5 =	sld [smem:$0x3FB3]  }
0x2b: {  	s6 =	sld [smem:$0x3FB4]  }
0x2c: {  	s7 =	sld [smem:$0x3FB5]  }
0x2d: {  	s3 =	simm.s32 $0x108;
	s8 =	sld [smem:$0x3FB6]  }
0x2e: {  	s3 =	simm.s32 @!p0 $0x1082;
	s9 =	sld [smem:$0x3FB7]  }
0x2f: {  	lr =	sadd.s32 s0, s3;
	s0 =	sld [smem:$0x3FAE]  }
0x30: {  	s3 =	sld [smem:$0x3FB1]  }
0x31: {  	[smem:$0x3FBA] =	sst s10  }
0x32: {  	s10 =	sld [smem:$0x3FB8];
	_ =	sdelay $0x3  }
0x33: {  	p0 =	seq.s32 s10, $0x1;
	s10 =	sld [smem:$0x3FBA];
	_ =	sdelay $0x3  }
0x34: {  	[smem:$0x3FBA] =	sst s10  }
0x35: {  	s10 =	sld [smem:$0x3FB9];
	_ =	sdelay $0x3  }
0x36: {  	p1 =	seq.s32 s10, $0x1;
	s10 =	sld [smem:$0x3FBA];
	_ =	sdelay $0x3  }
0x37: {  	[smem:$0x3FBA] =	sst s10  }
0x38: {  	s10 =	sld [smem:$0x3FBB]  }
0x39: {  	_ = 	snop;
	(pc) =	sbr.ind lr, $3  }
0x3a: {  	_ = 	snop  }
0x3b: {  	_ = 	snop  }
0x3c: {  	p2 =	seq.s32 s10, $0x1;
	s10 =	sld [smem:$0x3FBA]  }
0x3d: {  	_ =	shalt  }
0x3e: {  	_ =	shalt  }
0x3f: {  	_ =	shalt  }
0x40: {  	_ =	shalt  }
0x41: {  	_ =	shalt  }
0x42: {  	_ =	shalt  }
0x43: {  	_ =	shalt  }
0x44: {  	_ =	shalt  }
0x45: {  	_ =	shalt  }
0x46: {  	_ =	shalt  }
0x47: {  	_ =	shalt  }
0x48: {  	_ =	shalt  }
0x49: {  	_ =	shalt  }
0x4a: {  	_ =	shalt  }
0x4b: {  	_ =	shalt  }
0x4c: {  	_ =	shalt  }
0x4d: {  	_ =	shalt  }
0x4e: {  	_ =	shalt  }
0x4f: {  	_ =	shalt  }
0x50: {  	_ =	shalt  }
0x51: {  	_ =	shalt  }
0x52: {  	_ =	shalt  }
0x53: {  	_ =	shalt  }
0x54: {  	_ =	shalt  }
0x55: {  	_ =	shalt  }
0x56: {  	_ =	shalt  }
0x57: {  	_ =	shalt  }
0x58: {  	_ =	shalt  }
0x59: {  	_ =	shalt  }
0x5a: {  	_ =	shalt  }
0x5b: {  	_ =	shalt  }
0x5c: {  	_ =	shalt  }
0x5d: {  	_ =	shalt  }
0x5e: {  	_ =	shalt  }
0x5f: {  	_ =	shalt  }
0x60: {  	_ =	shalt  }
0x61: {  	_ =	shalt  }
0x62: {  	_ =	shalt  }
0x63: {  	_ =	shalt  }
0x64: {  	_ =	shalt  }
0x65: {  	_ =	shalt  }
0x66: {  	_ =	shalt  }
0x67: {  	_ =	shalt  }
0x68: {  	_ =	shalt  }
0x69: {  	_ =	shalt  }
0x6a: {  	_ =	shalt  }
0x6b: {  	_ =	shalt  }
0x6c: {  	_ =	shalt  }
0x6d: {  	_ =	shalt  }
0x6e: {  	_ =	shalt  }
0x6f: {  	_ =	shalt  }
0x70: {  	_ =	shalt  }
0x71: {  	_ =	shalt  }
0x72: {  	_ =	shalt  }
0x73: {  	_ =	shalt  }
0x74: {  	_ =	shalt  }
0x75: {  	_ =	shalt  }
0x76: {  	_ =	shalt  }
0x77: {  	_ =	shalt  }
0x78: {  	_ =	shalt  }
0x79: {  	_ =	shalt  }
0x7a: {  	_ =	shalt  }
0x7b: {  	_ =	shalt  }
0x7c: {  	_ =	shalt  }
0x7d: {  	_ =	shalt  }
0x7e: {  	_ =	shalt  }
0x7f: {  	_ =	shalt  }
0x80: {  	_ =	shalt  }
0x81: {  	_ =	shalt  }
0x82: {  	_ =	shalt  }
0x83: {  	_ =	shalt  }
0x84: {  	_ =	shalt  }
0x85: {  	_ =	shalt  }
0x86: {  	_ =	shalt  }
0x87: {  	_ =	shalt  }
.Lfunc_end0:
.L_simem_size_0:
called_computation_lowered:
.L_overlay_start_0:
0x88: {  	s2 =	sld [smem:$0x3FD9]  }
0x89: {  	s3 =	sld [smem:$0x3FFE];
	_ =	sdelay $0x1  }
0x8a: {  	s1 =	srdreg.scid  }
0x8b: {  	s0 =	sand.u32 $0x1, s1  }
0x8c: {  	s17 =	sshll.u32 s0, $0xA;
	s2 =	sadd.s32 s3, s2  }
0x8d: {  	s2 =	sadd.s32 s2, s17  }
0x8e: {  	[smem:$0x3FC6] =	sst s2  }
0x8f: {  	_ = 	snop  }
0x90: {  	s2 =	sld [smem:$0x3FD0];
	(tm) =	ssettm $0x1  }
0x91: {  	s18 =	sld [smem:$0x3FFB];
	_ =	sdelay $0x3  }
0x92: {  	_ =	strace s18  }
0x93: {  	s3 =	sld [smem:$0x3FFC];
	_ =	sdelay $0x3  }
0x94: {  	_ =	strace s3  }
0x95: {  	s3 =	sld [smem:$0x3FFD];
	_ =	sdelay $0x3  }
0x96: {  	_ =	strace s3  }
0x97: {  	_ =	strace $0x8FFFFFFF  }
0x98: {  	s19 =	sld [smem:$0x3FDB];
	_ =	sdelay $0x1  }
0x99: {  	s4 =	simm.s32 $_scs_section_size  }
0x9a: {  	s5 =	simm.s32 $_size__tile_overlayer_lowered;
	s6 =	simm.s32 $_tile_overlayer_lowered  }
0x9b: {  	s22 =	simm.s32 $0x1BFF;
	s21 =	sshll.u32 s6, $0x1;
	s3 =	sadd.s32 s4, s19  }
0x9c: {  	s7 =	simm.s32 $0x0;
	s20 =	sshll.u32 s5, $0x1;
	s5 =	sadd.s32 s21, s3  }
0x9d: {  	[timem:s7], [sflag:s22] =	dma.local [hbm:s5], s20  }
0x9e: {  	_ =	swait.ge [sflag:s22], s20  }
0x9f: {  	s4 =	ssub.s32 $0x0, s20;
	[sflag:s22] =	ssyncset.done $0x0  }
0xa0: {  	[sflag:s22] =	ssyncadd.s32 s4;
	_ =	sdelay $0x1  }
0xa1: {  	s23 =	simm.s32 $0x1B8B  }
0xa2: {  	_ =	swait.ge [sflag:s23], $0x1  }
0xa3: {  	[sflag:s23] =	ssyncset.done $0x0  }
0xa4: {  	s25 =	simm.s32 $0x1B8E;
	s24 =	sld [smem:$0x3FFE];
	[sflag:s23] =	ssyncadd.s32 $0xFFFFFFFF  }
0xa5: {  	s26 =	simm.s32 $execute0_lowered;
	[smem:$0x3FD2] =	sst s25  }
0xa6: {  	s5 =	sshll.u32 s26, $0x1;
	_ =	strace $0x80000046;
	[dreg:$0x1] =	wrdreg $0xFFFFFFFF  }
0xa7: {  	s28 =	simm.s32 $_size_execute0_lowered;
	s3 =	sadd.s32 s3, s5;
	[dreg:$0x0] =	wrdreg $0x0  }
0xa8: {  	s5 =	sshll.u32 s28, $0x1;
	[dreg:$0x2] =	wrdreg s3  }
0xa9: {  	[dreg:$0x3] =	wrdreg s5  }
0xaa: {  	[dreg:$0x4] =	wrdreg $0xC0  }
0xab: {  	_ =	task [dreg:s7], $0x5FFFF  }
0xac: {  	[dreg:$0x1] =	wrdreg $0xFFFFFFFF  }
0xad: {  	[dreg:$0x0] =	wrdreg $0x60  }
0xae: {  	[dreg:$0x2] =	wrdreg s24  }
0xaf: {  	[dreg:$0x3] =	wrdreg s2  }
0xb0: {  	[dreg:$0x4] =	wrdreg $0x9  }
0xb1: {  	_ =	task.clear_ibuf [dreg:s7], $0x5FFFF;
	_ =	strace $0x90000046  }
0xb2: {  	s29 =	simm.s32 $0x9;
	_ =	strace $0x80000048  }
0xb3: {  	_ =	swait.ge [sflag:s29], $0x1  }
0xb4: {  	[sflag:s29] =	ssyncadd.s32 $0xFFFFFFFF  }
0xb5: {  	_ =	strace $0x90000048  }
0xb6: {  	_ =	sfence  }
0xb7: {  	s30 =	sld [smem:$0x0];
	_ =	sdelay $0x2  }
0xb8: {  	s31 =	sshll.u32 s1, $0xD;
	s1 =	sshrl.u32 s1, $0x2  }
0xb9: {  	s3 =	sand.u32 $0x4000, s31;
	s1 =	sadd.s32 s1, s30  }
0xba: {  	s0 =	sor.u32 s3, s0;
	s1 =	sshll.u32 s1, $0x11  }
0xbb: {  	s0 =	sor.u32 s1, s0  }
0xbc: {  	s0 =	sadd.s32 $0x8F2B, s0  }
0xbd: {  	[sflag:s0] =	ssyncadd.remote.s32 $0x1  }
0xbe: {  	_ =	sfence.sel $0xFFFF  }
0xbf: {  	[dreg:$0x0] =	wrdreg $0xFFFFFFFF;
	(pc) =	sbr.abs _section_cstart, $3  }
0xc0: {  	[dreg:$0x1] =	wrdreg $0xFFFFFFFF  }
0xc1: {  	_ =	task.clear_ibuf [dreg:s7], $0x2FFFF;
	_ =	strace $0x9FFFFFFF  }
0xc2: {  	(tm) =	ssettm $0x7FFFFFFF  }
0xc3: {  	_ =	shalt  }
tec
execute0_lowered:
.L_overlay_start_1:
0x0: {  	(tag) =	ssettag $0x1  }
0x1: {  	s4 =	rddreg [dreg:$0x0]  }
0x2: {  	s5 =	rddreg [dreg:$0x1]  }
0x3: {  	s0 =	rddreg [dreg:$0x2];
	s3 =	srdreg.scid;
	s2 =	simm.s32 $0x0  }
0x4: {  	s1 =	stileid.u32;
	s10 =	simm.s32 $0x80;
	s11 =	simm.s32 $0x13400  }
0x5: {  	s12 =	simm.s32 $0x100;
	s13 =	simm.s32 $0x16800;
	s14 =	simm.s32 $0x180  }
0x6: {  	s15 =	simm.s32 $0x19C00;
	s16 =	simm.s32 $0x1;
	s17 =	simm.s32 $0x1D000  }
0x7: {  	s18 =	simm.s32 $0x2;
	s19 =	simm.s32 $0x3;
	s20 =	simm.s32 $0x4  }
0x8: {  	s21 =	simm.s32 $0x0;
	s3 =	sand.u32 $0x1, s3;
	[smem:$0x7FF] =	sst s2  }
0x9: {  	s6 =	sshll.u32 s1, $0xA;
	s7 =	sshll.u32 s3, $0x9;
	_ =	strace $0x80000047  }
.Ltmp0:
0xa: {  	s31 =	ssub.s32 $0x2, s3;
	s6 =	sor.u32 s7, s6;
	(pc) =	sbr.rel .LBB2_1-.Ltmp0, $4  }
0xb: {  	s3 =	sadd.s32 $0x400, s4;
	s9 =	sshrl.u32 s31, $0x1;
	s8 =	sshll.u32 s6, $0x4  }
0xc: {  	s7 =	ssub.s32 s31, s9;
	s6 =	sshrl.u32 s6, $0x3;
	s9 =	simm.s32 $0x10000  }
0xd: {  	s4 =	sadd.s32 s8, s4;
	s5 =	sadd.s32 s5, s6;
	s6 =	smax.u32 s7, $0x1  }
0xe: {  	vm0 =	vcmask $0x3F3C;
	s7 =	simm.s32 $0x5;
	s8 =	simm.s32 $0x64;
	s4 =	sadd.s32 $0x186E00, s4  }
.LBB2_12:
0xf: {  	s21 =	sadd.s32 $0x1, s21  }
0x10: {  	p0 =	sne.s32 s21, s6  }
.Ltmp1:
0x11: {  	_ = 	snop;
	(pc) =	sbr.rel @!p0 .LBB2_13-.Ltmp1, $4  }
0x12: {  	[hbm4b:s5+s2] =	stream.linear.scatter [tilespmem:s17], [sflag:$0x5], $0x200, $0x38;
	[tilespmem:$0x1D200] =	vst v63  }
0x13: {  	_ =	swait.ge [sflag:s7], $0x200  }
0x14: {  	[sflag:s7] =	ssyncset.done $0x0  }
0x15: {  	[sflag:s7] =	ssyncadd.s32 $0xFFFFFE00  }
.LBB2_1:
0x16: {  	[tilespmem:s2], [sflag:$0x5] =	stream.linear.gather [hbm4b:s4+s2], $0x10000, $0x38;
	[tilespmem:$0x1D200] =	vst v63  }
0x17: {  	_ =	swait.ge [sflag:s7], $0x10000  }
0x18: {  	[sflag:s7] =	ssyncset.done $0x0  }
0x19: {  	[sflag:s7] =	ssyncadd.s32 $0xFFFF0000  }
0x1a: {  	[tilespmem:s9], [sflag:$0x1] =	stream.indirect.gather [hbm4b:s3+s8], $0x80, s2, s8, $0xb8;
	[tilespmem:$0x1D200] =	vst v63  }
0x1b: {  	_ = 	snop  }
0x1c: {  	[tilespmem:s11], [sflag:$0x2] =	stream.indirect.gather [hbm4b:s3+s8], $0x80, s10, s8, $0xb8;
	[tilespmem:$0x1D200] =	vst v63  }
0x1d: {  	_ = 	snop  }
0x1e: {  	[tilespmem:s13], [sflag:$0x3] =	stream.indirect.gather [hbm4b:s3+s8], $0x80, s12, s8, $0xb8;
	[tilespmem:$0x1D200] =	vst v63  }
0x1f: {  	s22 =	simm.s32 $0x0  }
0x20: {  	[tilespmem:s15], [sflag:$0x4] =	stream.indirect.gather [hbm4b:s3+s8], $0x80, s14, s8, $0xb8;
	[tilespmem:$0x1D200] =	vst v63  }
.LBB2_2:
0x21: {  	_ =	swait.ge [sflag:s16], $0x3200  }
0x22: {  	[sflag:s16] =	ssyncset.done $0x0  }
0x23: {  	s24 =	simm.s32 $0x10100;
	[sflag:s16] =	ssyncadd.s32 $0xFFFFCE00  }
0x24: {  	v0 =	vld [tilespmem:s24+$0xFFFFFF00];
	_ =	sdelay $0x1  }
0x25: {  	v1 =	vld [tilespmem:s24+$0xFFFFFF10];
	_ =	sdelay $0x1  }
0x26: {  	v5 =	vld [tilespmem:s24+$0xFFFFFF20]  }
0x27: {  	v2 =	vmul.f32 v0, v0  }
0x28: {  	v8 =	vimm.f32 $0.0e+00;
	v6 =	vld [tilespmem:s24+$0xFFFFFF30]  }
0x29: {  	v3 =	vmul.f32 v1, v1;
	v2 =	vadd.f32 v2, v8  }
0x2a: {  	v7 =	vld [tilespmem:s24+$0xFFFFFF40]  }
0x2b: {  	v2 =	vadd.f32 v3, v2;
	v3 =	vmul.f32 v5, v5  }
0x2c: {  	v9 =	vld [tilespmem:s24+$0xFFFFFF50]  }
0x2d: {  	v2 =	vadd.f32 v3, v2;
	v3 =	vmul.f32 v6, v6  }
0x2e: {  	v10 =	vld [tilespmem:s24+$0xFFFFFF60]  }
0x2f: {  	v2 =	vadd.f32 v3, v2;
	v3 =	vmul.f32 v7, v7  }
0x30: {  	v16 =	vld [tilespmem:s24+$0xFFFFFF70]  }
0x31: {  	v2 =	vadd.f32 v3, v2;
	v3 =	vmul.f32 v9, v9  }
0x32: {  	v14 =	vld [tilespmem:s24+$0xFFFFFF80]  }
0x33: {  	v2 =	vadd.f32 v3, v2;
	v3 =	vmul.f32 v10, v10  }
0x34: {  	v15 =	vld [tilespmem:s24+$0xFFFFFF90]  }
0x35: {  	v2 =	vadd.f32 v3, v2;
	v3 =	vmul.f32 v16, v16  }
0x36: {  	v17 =	vld [tilespmem:s24+$0xFFFFFFA0]  }
0x37: {  	v2 =	vadd.f32 v3, v2;
	v3 =	vmul.f32 v14, v14  }
0x38: {  	v18 =	vld [tilespmem:s24+$0xFFFFFFB0]  }
0x39: {  	v2 =	vadd.f32 v3, v2;
	v3 =	vmul.f32 v15, v15  }
0x3a: {  	v19 =	vld [tilespmem:s24+$0xFFFFFFC0]  }
0x3b: {  	v4 =	vmul.f32 v17, v17;
	v3 =	vadd.f32 v3, v2  }
0x3c: {  	v2 =	vld [tilespmem:s24+$0xFFFFFFD0]  }
0x3d: {  	v11 =	vmul.f32 v18, v18;
	v4 =	vadd.f32 v4, v3  }
0x3e: {  	v3 =	vld [tilespmem:s24+$0xFFFFFFE0]  }
0x3f: {  	v12 =	vmul.f32 v19, v19;
	v11 =	vadd.f32 v11, v4  }
0x40: {  	v4 =	vld [tilespmem:s24+$0xFFFFFFF0]  }
0x41: {  	v11 =	vadd.f32 v12, v11;
	v12 =	vmul.f32 v2, v2  }
0x42: {  	v20 =	vld [tilespmem:s24+$0x0]  }
0x43: {  	v11 =	vadd.f32 v12, v11;
	v12 =	vmul.f32 v3, v3  }
0x44: {  	v21 =	vld [tilespmem:s24+$0x10]  }
0x45: {  	v11 =	vadd.f32 v12, v11;
	v12 =	vmul.f32 v4, v4  }
0x46: {  	v22 =	vld [tilespmem:s24+$0x20]  }
0x47: {  	v11 =	vadd.f32 v12, v11;
	v12 =	vmul.f32 v20, v20  }
0x48: {  	v23 =	vld [tilespmem:s24+$0x30]  }
0x49: {  	v11 =	vadd.f32 v12, v11;
	v12 =	vmul.f32 v21, v21  }
0x4a: {  	v24 =	vld [tilespmem:s24+$0x40]  }
0x4b: {  	v13 =	vmul.f32 v22, v22;
	v12 =	vadd.f32 v12, v11  }
0x4c: {  	v11 =	vld [tilespmem:s24+$0x50]  }
0x4d: {  	v25 =	vmul.f32 v23, v23;
	v13 =	vadd.f32 v13, v12  }
0x4e: {  	v12 =	vld [tilespmem:s24+$0x60]  }
0x4f: {  	v26 =	vmul.f32 v24, v24;
	v25 =	vadd.f32 v25, v13  }
0x50: {  	v0 =	vadd.f32 v0, v8;
	v13 =	vld [tilespmem:s24+$0x70]  }
0x51: {  	v1 =	vadd.f32 v1, v8;
	v59 =	vmul.f32 v11, v11;
	v25 =	vadd.f32 v26, v25  }
0x52: {  	v27 =	vld [tilespmem:s24+$0x80];
	v0 =	vadd.f32 v14, v0  }
0x53: {  	v1 =	vadd.f32 v15, v1;
	v60 =	vmul.f32 v12, v12;
	v15 =	vadd.f32 v59, v25  }
0x54: {  	v14 =	vld [tilespmem:s24+$0x90]  }
0x55: {  	v0 =	vadd.f32 v20, v0;
	v20 =	vmul.f32 v13, v13;
	v15 =	vadd.f32 v60, v15  }
0x56: {  	v61 =	vld [tilespmem:s24+$0xA0];
	v1 =	vadd.f32 v21, v1;
	v5 =	vadd.f32 v5, v8  }
0x57: {  	v6 =	vadd.f32 v6, v8;
	v15 =	vadd.f32 v20, v15;
	v20 =	vmul.f32 v27, v27  }
0x58: {  	v62 =	vld [tilespmem:s24+$0xB0];
	v5 =	vadd.f32 v17, v5;
	v7 =	vadd.f32 v7, v8  }
0x59: {  	v17 =	vld [tilespmem:s24+$0xC0];
	v1 =	vadd.f32 v14, v1;
	v14 =	vmul.f32 v14, v14;
	v15 =	vadd.f32 v20, v15  }
0x5a: {  	v0 =	vadd.f32 v27, v0;
	v7 =	vadd.f32 v19, v7  }
0x5b: {  	v6 =	vadd.f32 v18, v6;
	v14 =	vadd.f32 v14, v15;
	v15 =	vmul.f32 v61, v61  }
0x5c: {  	v5 =	vadd.f32 v22, v5;
	v18 =	vld [tilespmem:s24+$0xD0];
	v19 =	vadd.f32 v24, v7  }
0x5d: {  	v6 =	vadd.f32 v23, v6;
	v14 =	vadd.f32 v15, v14;
	v15 =	vmul.f32 v62, v62  }
0x5e: {  	v7 =	vadd.f32 v61, v5;
	v5 =	vadd.f32 v17, v19;
	v19 =	vld [tilespmem:s24+$0xE0]  }
0x5f: {  	v63 =	vmul.f32 v17, v17;
	v6 =	vadd.f32 v62, v6;
	v20 =	vadd.f32 v15, v14  }
0x60: {  	v17 =	vadd.f32 v9, v8;
	v15 =	vadd.f32 v10, v8;
	v14 =	vld [tilespmem:s24+$0xF0]  }
0x61: {  	s23 =	simm.s32 $0x0;
	v9 =	vmul.f32 v18, v18;
	v10 =	vadd.f32 v16, v8;
	s24 =	simm.s32 $0x10300;
	v8 =	vadd.f32 v63, v20  }
.LBB2_3:
0x62: {  	v20 =	vld [tilespmem:s24+$0xFFFFFF00];
	s23 =	sadd.s32 $0x4, s23;
	v2 =	vadd.f32 v2, v17;
	v3 =	vadd.f32 v3, v15  }
0x63: {  	p0 =	slt.u32 s23, $0x60;
	v4 =	vadd.f32 v4, v10;
	v8 =	vadd.f32 v9, v8;
	v9 =	vmul.f32 v19, v19  }
0x64: {  	v21 =	vld [tilespmem:s24+$0xFFFFFF10];
	v2 =	vadd.f32 v11, v2;
	v3 =	vadd.f32 v12, v3  }
0x65: {  	v4 =	vadd.f32 v13, v4;
	v11 =	vadd.f32 v9, v8;
	v12 =	vmul.f32 v14, v14  }
0x66: {  	v17 =	vld [tilespmem:s24+$0xFFFFFF20];
	v8 =	vadd.f32 v18, v2;
	v9 =	vadd.f32 v19, v3  }
0x67: {  	v2 =	vmul.f32 v20, v20;
	v10 =	vadd.f32 v14, v4;
	v3 =	vadd.f32 v12, v11  }
0x68: {  	v18 =	vld [tilespmem:s24+$0xFFFFFF30]  }
0x69: {  	v2 =	vadd.f32 v2, v3;
	v3 =	vmul.f32 v21, v21  }
0x6a: {  	v19 =	vld [tilespmem:s24+$0xFFFFFF40]  }
0x6b: {  	v2 =	vadd.f32 v3, v2;
	v3 =	vmul.f32 v17, v17  }
0x6c: {  	v14 =	vld [tilespmem:s24+$0xFFFFFF50]  }
0x6d: {  	v2 =	vadd.f32 v3, v2;
	v3 =	vmul.f32 v18, v18  }
0x6e: {  	v15 =	vld [tilespmem:s24+$0xFFFFFF60]  }
0x6f: {  	v2 =	vadd.f32 v3, v2;
	v3 =	vmul.f32 v19, v19  }
0x70: {  	v16 =	vld [tilespmem:s24+$0xFFFFFF70]  }
0x71: {  	v2 =	vadd.f32 v3, v2;
	v3 =	vmul.f32 v14, v14  }
0x72: {  	v22 =	vld [tilespmem:s24+$0xFFFFFF80]  }
0x73: {  	v2 =	vadd.f32 v3, v2;
	v3 =	vmul.f32 v15, v15  }
0x74: {  	v23 =	vld [tilespmem:s24+$0xFFFFFF90]  }
0x75: {  	v2 =	vadd.f32 v3, v2;
	v3 =	vmul.f32 v16, v16  }
0x76: {  	v24 =	vld [tilespmem:s24+$0xFFFFFFA0]  }
0x77: {  	v2 =	vadd.f32 v3, v2;
	v3 =	vmul.f32 v22, v22  }
0x78: {  	v25 =	vld [tilespmem:s24+$0xFFFFFFB0]  }
0x79: {  	v2 =	vadd.f32 v3, v2;
	v3 =	vmul.f32 v23, v23  }
0x7a: {  	v26 =	vld [tilespmem:s24+$0xFFFFFFC0]  }
0x7b: {  	v3 =	vadd.f32 v3, v2;
	v4 =	vmul.f32 v24, v24  }
0x7c: {  	v2 =	vld [tilespmem:s24+$0xFFFFFFD0]  }
0x7d: {  	v4 =	vadd.f32 v4, v3;
	v11 =	vmul.f32 v25, v25  }
0x7e: {  	v3 =	vld [tilespmem:s24+$0xFFFFFFE0]  }
0x7f: {  	v11 =	vadd.f32 v11, v4;
	v12 =	vmul.f32 v26, v26  }
0x80: {  	v4 =	vld [tilespmem:s24+$0xFFFFFFF0]  }
0x81: {  	v11 =	vadd.f32 v12, v11;
	v12 =	vmul.f32 v2, v2  }
0x82: {  	v27 =	vld [tilespmem:s24+$0x0]  }
0x83: {  	v11 =	vadd.f32 v12, v11;
	v12 =	vmul.f32 v3, v3  }
0x84: {  	v28 =	vld [tilespmem:s24+$0x10]  }
0x85: {  	v11 =	vadd.f32 v12, v11;
	v12 =	vmul.f32 v4, v4  }
0x86: {  	v29 =	vld [tilespmem:s24+$0x20]  }
0x87: {  	v11 =	vadd.f32 v12, v11;
	v12 =	vmul.f32 v27, v27  }
0x88: {  	v30 =	vld [tilespmem:s24+$0x30]  }
0x89: {  	v11 =	vadd.f32 v12, v11;
	v12 =	vmul.f32 v28, v28  }
0x8a: {  	v31 =	vld [tilespmem:s24+$0x40]  }
0x8b: {  	v12 =	vadd.f32 v12, v11;
	v13 =	vmul.f32 v29, v29  }
0x8c: {  	v11 =	vld [tilespmem:s24+$0x50]  }
0x8d: {  	v13 =	vadd.f32 v13, v12;
	v32 =	vmul.f32 v30, v30  }
0x8e: {  	v12 =	vld [tilespmem:s24+$0x60]  }
0x8f: {  	v32 =	vadd.f32 v32, v13;
	v33 =	vmul.f32 v31, v31  }
0x90: {  	v0 =	vadd.f32 v20, v0;
	v13 =	vld [tilespmem:s24+$0x70]  }
0x91: {  	v1 =	vadd.f32 v21, v1;
	v20 =	vadd.f32 v33, v32;
	v21 =	vmul.f32 v11, v11;
	v32 =	vld [tilespmem:s24+$0x80]  }
0x92: {  	v0 =	vadd.f32 v22, v0;
	v22 =	vld [tilespmem:s24+$0x90]  }
0x93: {  	v1 =	vadd.f32 v23, v1;
	v20 =	vadd.f32 v21, v20;
	v21 =	vmul.f32 v12, v12  }
0x94: {  	v0 =	vadd.f32 v27, v0  }
0x95: {  	v1 =	vadd.f32 v28, v1;
	v20 =	vadd.f32 v21, v20;
	v21 =	vmul.f32 v13, v13  }
0x96: {  	v0 =	vadd.f32 v32, v0;
	v23 =	vld [tilespmem:s24+$0xA0]  }
0x97: {  	v20 =	vadd.f32 v21, v20;
	v21 =	vmul.f32 v32, v32;
	v1 =	vadd.f32 v22, v1  }
0x98: {  	v7 =	vadd.f32 v17, v7;
	v6 =	vadd.f32 v18, v6;
	v17 =	vld [tilespmem:s24+$0xB0]  }
0x99: {  	v5 =	vadd.f32 v19, v5;
	v19 =	vmul.f32 v22, v22;
	v18 =	vadd.f32 v21, v20  }
0x9a: {  	v7 =	vadd.f32 v24, v7;
	v6 =	vadd.f32 v25, v6;
	v20 =	vld [tilespmem:s24+$0xC0]  }
0x9b: {  	v5 =	vadd.f32 v26, v5;
	v19 =	vadd.f32 v19, v18;
	v21 =	vmul.f32 v23, v23  }
0x9c: {  	v7 =	vadd.f32 v29, v7;
	v6 =	vadd.f32 v30, v6;
	v18 =	vld [tilespmem:s24+$0xD0]  }
.Ltmp2:
0x9d: {  	v5 =	vadd.f32 v31, v5;
	v21 =	vadd.f32 v21, v19;
	v22 =	vmul.f32 v17, v17;
	(pc) =	sbr.rel @p0 .LBB2_3-.Ltmp2, $4  }
0x9e: {  	v7 =	vadd.f32 v23, v7;
	v6 =	vadd.f32 v17, v6;
	v19 =	vld [tilespmem:s24+$0xE0]  }
0x9f: {  	v21 =	vadd.f32 v22, v21;
	v5 =	vadd.f32 v20, v5;
	v20 =	vmul.f32 v20, v20  }
0xa0: {  	v15 =	vadd.f32 v15, v9;
	v17 =	vadd.f32 v14, v8;
	v14 =	vld [tilespmem:s24+$0xF0]  }
0xa1: {  	v10 =	vadd.f32 v16, v10;
	s24 =	sadd.s32 $0x200, s24;
	v8 =	vadd.f32 v20, v21;
	v9 =	vmul.f32 v18, v18  }
0xa2: {  	v0 =	vmul.f32 v0, v0;
	v1 =	vmul.f32 v1, v1;
	_ =	sdelay $0x1  }
0xa3: {  	v2 =	vadd.f32 v2, v17;
	v0 =	vadd.f32 v1, v0;
	v1 =	vmul.f32 v7, v7  }
0xa4: {  	v3 =	vadd.f32 v3, v15  }
0xa5: {  	v2 =	vadd.f32 v11, v2;
	v0 =	vadd.f32 v1, v0;
	v1 =	vmul.f32 v6, v6  }
0xa6: {  	v4 =	vadd.f32 v4, v10;
	v3 =	vadd.f32 v12, v3  }
0xa7: {  	v2 =	vadd.f32 v18, v2;
	v0 =	vadd.f32 v1, v0;
	v1 =	vmul.f32 v5, v5  }
0xa8: {  	v4 =	vadd.f32 v13, v4  }
0xa9: {  	v3 =	vadd.f32 v19, v3;
	v0 =	vadd.f32 v1, v0;
	v1 =	vmul.f32 v2, v2  }
0xaa: {  	v5 =	vmul.f32 v19, v19;
	v2 =	vadd.f32 v9, v8  }
0xab: {  	v4 =	vadd.f32 v14, v4;
	v0 =	vadd.f32 v1, v0;
	v1 =	vmul.f32 v3, v3  }
0xac: {  	v2 =	vadd.f32 v5, v2  }
0xad: {  	v3 =	vmul.f32 v14, v14;
	v0 =	vadd.f32 v1, v0;
	v1 =	vmul.f32 v4, v4;
	_ =	sdelay $0x1  }
0xae: {  	v2 =	vadd.f32 v3, v2;
	v0 =	vadd.f32 v1, v0;
	_ =	sdelay $0x1  }
0xaf: {  	v0 =	vsub.f32 v0, v2;
	_ =	sdelay $0x1  }
0xb0: {  	v0 =	vmul.f32 $5.000000000e-01, v0;
	_ =	sdelay $0x1  }
0xb1: {  	(xrf2) =	vadd.scan.msk.f32 $0xffff, v0;
	_ =	sdelay $0x2  }
0xb2: {  	s23 =	sshll.u32 s22, $0x2  }
0xb3: {  	v0 =	vmov s23  }
0xb4: {  	v0 =	vbroadcast v0, $0x0;
	_ =	sdelay $0x2  }
0xb5: {  	p0 =	seq.s32 s22, $0x7F  }
0xb6: {  	s24 =	sshll.u32 @!p0 s22, $0x9  }
0xb7: {  	s24 =	sand.u32 @!p0 $0x3FFFFE00, s24;
	v1, _, _ =	vpop (xrf2)  }
0xb8: {  	s26 =	simm.s32 @!p0 $0x64;
	s28 =	simm.s32 @!p0 $0x10000;
	s25 =	sadd.s32 @!p0 $0x200, s24;
	[tilespmem:v0+s17+$0x0] =	vst.idx.msk vm0, v1  }
0xb9: {  	[tilespmem:s28], [sflag:$0x1] =	stream.indirect.gather @!p0 [hbm4b:s3+s26], $0x80, s25, s26, $0xb8;
	[tilespmem:$0x1D200] =	vst v63  }
0xba: {  	_ =	swait.ge [sflag:s18], $0x3200  }
0xbb: {  	[sflag:s18] =	ssyncset.done $0x0  }
0xbc: {  	s31 =	simm.s32 $0x13500;
	[sflag:s18] =	ssyncadd.s32 $0xFFFFCE00  }
0xbd: {  	v0 =	vld [tilespmem:s31+$0xFFFFFF00];
	_ =	sdelay $0x1  }
0xbe: {  	v1 =	vld [tilespmem:s31+$0xFFFFFF10];
	_ =	sdelay $0x1  }
0xbf: {  	v5 =	vld [tilespmem:s31+$0xFFFFFF20]  }
0xc0: {  	v2 =	vmul.f32 v0, v0  }
0xc1: {  	v8 =	vimm.f32 $0.0e+00;
	v6 =	vld [tilespmem:s31+$0xFFFFFF30]  }
0xc2: {  	v3 =	vmul.f32 v1, v1;
	v2 =	vadd.f32 v2, v8  }
0xc3: {  	v7 =	vld [tilespmem:s31+$0xFFFFFF40]  }
0xc4: {  	v2 =	vadd.f32 v3, v2;
	v3 =	vmul.f32 v5, v5  }
0xc5: {  	v9 =	vld [tilespmem:s31+$0xFFFFFF50]  }
0xc6: {  	v2 =	vadd.f32 v3, v2;
	v3 =	vmul.f32 v6, v6  }
0xc7: {  	v10 =	vld [tilespmem:s31+$0xFFFFFF60]  }
0xc8: {  	v2 =	vadd.f32 v3, v2;
	v3 =	vmul.f32 v7, v7  }
0xc9: {  	v16 =	vld [tilespmem:s31+$0xFFFFFF70]  }
0xca: {  	v2 =	vadd.f32 v3, v2;
	v3 =	vmul.f32 v9, v9  }
0xcb: {  	v14 =	vld [tilespmem:s31+$0xFFFFFF80]  }
0xcc: {  	v2 =	vadd.f32 v3, v2;
	v3 =	vmul.f32 v10, v10  }
0xcd: {  	v15 =	vld [tilespmem:s31+$0xFFFFFF90]  }
0xce: {  	v2 =	vadd.f32 v3, v2;
	v3 =	vmul.f32 v16, v16  }
0xcf: {  	v17 =	vld [tilespmem:s31+$0xFFFFFFA0]  }
0xd0: {  	v2 =	vadd.f32 v3, v2;
	v3 =	vmul.f32 v14, v14  }
0xd1: {  	v18 =	vld [tilespmem:s31+$0xFFFFFFB0]  }
0xd2: {  	v2 =	vadd.f32 v3, v2;
	v3 =	vmul.f32 v15, v15  }
0xd3: {  	v19 =	vld [tilespmem:s31+$0xFFFFFFC0]  }
0xd4: {  	v4 =	vmul.f32 v17, v17;
	v3 =	vadd.f32 v3, v2  }
0xd5: {  	v2 =	vld [tilespmem:s31+$0xFFFFFFD0]  }
0xd6: {  	v11 =	vmul.f32 v18, v18;
	v4 =	vadd.f32 v4, v3  }
0xd7: {  	v3 =	vld [tilespmem:s31+$0xFFFFFFE0]  }
0xd8: {  	v12 =	vmul.f32 v19, v19;
	v11 =	vadd.f32 v11, v4  }
0xd9: {  	v4 =	vld [tilespmem:s31+$0xFFFFFFF0]  }
0xda: {  	v11 =	vadd.f32 v12, v11;
	v12 =	vmul.f32 v2, v2  }
0xdb: {  	v20 =	vld [tilespmem:s31+$0x0]  }
0xdc: {  	v11 =	vadd.f32 v12, v11;
	v12 =	vmul.f32 v3, v3  }
0xdd: {  	v21 =	vld [tilespmem:s31+$0x10]  }
0xde: {  	v11 =	vadd.f32 v12, v11;
	v12 =	vmul.f32 v4, v4  }
0xdf: {  	v22 =	vld [tilespmem:s31+$0x20]  }
0xe0: {  	v11 =	vadd.f32 v12, v11;
	v12 =	vmul.f32 v20, v20  }
0xe1: {  	v23 =	vld [tilespmem:s31+$0x30]  }
0xe2: {  	v11 =	vadd.f32 v12, v11;
	v12 =	vmul.f32 v21, v21  }
0xe3: {  	v24 =	vld [tilespmem:s31+$0x40]  }
0xe4: {  	v13 =	vmul.f32 v22, v22;
	v12 =	vadd.f32 v12, v11  }
0xe5: {  	v11 =	vld [tilespmem:s31+$0x50]  }
0xe6: {  	v25 =	vmul.f32 v23, v23;
	v13 =	vadd.f32 v13, v12  }
0xe7: {  	v12 =	vld [tilespmem:s31+$0x60]  }
0xe8: {  	v26 =	vmul.f32 v24, v24;
	v25 =	vadd.f32 v25, v13  }
0xe9: {  	v0 =	vadd.f32 v0, v8;
	v13 =	vld [tilespmem:s31+$0x70]  }
0xea: {  	v1 =	vadd.f32 v1, v8;
	v59 =	vmul.f32 v11, v11;
	v25 =	vadd.f32 v26, v25  }
0xeb: {  	v27 =	vld [tilespmem:s31+$0x80];
	v0 =	vadd.f32 v14, v0  }
0xec: {  	v1 =	vadd.f32 v15, v1;
	v60 =	vmul.f32 v12, v12;
	v15 =	vadd.f32 v59, v25  }
0xed: {  	v14 =	vld [tilespmem:s31+$0x90]  }
0xee: {  	v0 =	vadd.f32 v20, v0;
	v20 =	vmul.f32 v13, v13;
	v15 =	vadd.f32 v60, v15  }
0xef: {  	v61 =	vld [tilespmem:s31+$0xA0];
	v1 =	vadd.f32 v21, v1;
	v5 =	vadd.f32 v5, v8  }
0xf0: {  	v6 =	vadd.f32 v6, v8;
	v15 =	vadd.f32 v20, v15;
	v20 =	vmul.f32 v27, v27  }
0xf1: {  	v62 =	vld [tilespmem:s31+$0xB0];
	v5 =	vadd.f32 v17, v5;
	v7 =	vadd.f32 v7, v8  }
0xf2: {  	v17 =	vld [tilespmem:s31+$0xC0];
	v1 =	vadd.f32 v14, v1;
	v14 =	vmul.f32 v14, v14;
	v15 =	vadd.f32 v20, v15  }
0xf3: {  	v0 =	vadd.f32 v27, v0;
	v7 =	vadd.f32 v19, v7  }
0xf4: {  	v6 =	vadd.f32 v18, v6;
	v14 =	vadd.f32 v14, v15;
	v15 =	vmul.f32 v61, v61  }
0xf5: {  	v5 =	vadd.f32 v22, v5;
	v18 =	vld [tilespmem:s31+$0xD0];
	v19 =	vadd.f32 v24, v7  }
0xf6: {  	v6 =	vadd.f32 v23, v6;
	v14 =	vadd.f32 v15, v14;
	v15 =	vmul.f32 v62, v62  }
0xf7: {  	v7 =	vadd.f32 v61, v5;
	v5 =	vadd.f32 v17, v19;
	v19 =	vld [tilespmem:s31+$0xE0]  }
0xf8: {  	v63 =	vmul.f32 v17, v17;
	v6 =	vadd.f32 v62, v6;
	v20 =	vadd.f32 v15, v14  }
0xf9: {  	v17 =	vadd.f32 v9, v8;
	v15 =	vadd.f32 v10, v8;
	v14 =	vld [tilespmem:s31+$0xF0]  }
0xfa: {  	s25 =	simm.s32 $0x0;
	s26 =	simm.s32 $0x13700;
	v9 =	vmul.f32 v18, v18;
	v10 =	vadd.f32 v16, v8;
	v8 =	vadd.f32 v63, v20  }
.LBB2_5:
0xfb: {  	v20 =	vld [tilespmem:s26+$0xFFFFFF00];
	s25 =	sadd.s32 $0x4, s25;
	v2 =	vadd.f32 v2, v17;
	v3 =	vadd.f32 v3, v15  }
0xfc: {  	p1 =	slt.u32 s25, $0x60;
	v4 =	vadd.f32 v4, v10;
	v8 =	vadd.f32 v9, v8;
	v9 =	vmul.f32 v19, v19  }
0xfd: {  	v21 =	vld [tilespmem:s26+$0xFFFFFF10];
	v2 =	vadd.f32 v11, v2;
	v3 =	vadd.f32 v12, v3  }
0xfe: {  	v4 =	vadd.f32 v13, v4;
	v11 =	vadd.f32 v9, v8;
	v12 =	vmul.f32 v14, v14  }
0xff: {  	v17 =	vld [tilespmem:s26+$0xFFFFFF20];
	v8 =	vadd.f32 v18, v2;
	v9 =	vadd.f32 v19, v3  }
0x100: {  	v2 =	vmul.f32 v20, v20;
	v10 =	vadd.f32 v14, v4;
	v3 =	vadd.f32 v12, v11  }
0x101: {  	v18 =	vld [tilespmem:s26+$0xFFFFFF30]  }
0x102: {  	v2 =	vadd.f32 v2, v3;
	v3 =	vmul.f32 v21, v21  }
0x103: {  	v19 =	vld [tilespmem:s26+$0xFFFFFF40]  }
0x104: {  	v2 =	vadd.f32 v3, v2;
	v3 =	vmul.f32 v17, v17  }
0x105: {  	v14 =	vld [tilespmem:s26+$0xFFFFFF50]  }
0x106: {  	v2 =	vadd.f32 v3, v2;
	v3 =	vmul.f32 v18, v18  }
0x107: {  	v15 =	vld [tilespmem:s26+$0xFFFFFF60]  }
0x108: {  	v2 =	vadd.f32 v3, v2;
	v3 =	vmul.f32 v19, v19  }
0x109: {  	v16 =	vld [tilespmem:s26+$0xFFFFFF70]  }
0x10a: {  	v2 =	vadd.f32 v3, v2;
	v3 =	vmul.f32 v14, v14  }
0x10b: {  	v22 =	vld [tilespmem:s26+$0xFFFFFF80]  }
0x10c: {  	v2 =	vadd.f32 v3, v2;
	v3 =	vmul.f32 v15, v15  }
0x10d: {  	v23 =	vld [tilespmem:s26+$0xFFFFFF90]  }
0x10e: {  	v2 =	vadd.f32 v3, v2;
	v3 =	vmul.f32 v16, v16  }
0x10f: {  	v24 =	vld [tilespmem:s26+$0xFFFFFFA0]  }
0x110: {  	v2 =	vadd.f32 v3, v2;
	v3 =	vmul.f32 v22, v22  }
0x111: {  	v25 =	vld [tilespmem:s26+$0xFFFFFFB0]  }
0x112: {  	v2 =	vadd.f32 v3, v2;
	v3 =	vmul.f32 v23, v23  }
0x113: {  	v26 =	vld [tilespmem:s26+$0xFFFFFFC0]  }
0x114: {  	v3 =	vadd.f32 v3, v2;
	v4 =	vmul.f32 v24, v24  }
0x115: {  	v2 =	vld [tilespmem:s26+$0xFFFFFFD0]  }
0x116: {  	v4 =	vadd.f32 v4, v3;
	v11 =	vmul.f32 v25, v25  }
0x117: {  	v3 =	vld [tilespmem:s26+$0xFFFFFFE0]  }
0x118: {  	v11 =	vadd.f32 v11, v4;
	v12 =	vmul.f32 v26, v26  }
0x119: {  	v4 =	vld [tilespmem:s26+$0xFFFFFFF0]  }
0x11a: {  	v11 =	vadd.f32 v12, v11;
	v12 =	vmul.f32 v2, v2  }
0x11b: {  	v27 =	vld [tilespmem:s26+$0x0]  }
0x11c: {  	v11 =	vadd.f32 v12, v11;
	v12 =	vmul.f32 v3, v3  }
0x11d: {  	v28 =	vld [tilespmem:s26+$0x10]  }
0x11e: {  	v11 =	vadd.f32 v12, v11;
	v12 =	vmul.f32 v4, v4  }
0x11f: {  	v29 =	vld [tilespmem:s26+$0x20]  }
0x120: {  	v11 =	vadd.f32 v12, v11;
	v12 =	vmul.f32 v27, v27  }
0x121: {  	v30 =	vld [tilespmem:s26+$0x30]  }
0x122: {  	v11 =	vadd.f32 v12, v11;
	v12 =	vmul.f32 v28, v28  }
0x123: {  	v31 =	vld [tilespmem:s26+$0x40]  }
0x124: {  	v12 =	vadd.f32 v12, v11;
	v13 =	vmul.f32 v29, v29  }
0x125: {  	v11 =	vld [tilespmem:s26+$0x50]  }
0x126: {  	v13 =	vadd.f32 v13, v12;
	v32 =	vmul.f32 v30, v30  }
0x127: {  	v12 =	vld [tilespmem:s26+$0x60]  }
0x128: {  	v32 =	vadd.f32 v32, v13;
	v33 =	vmul.f32 v31, v31  }
0x129: {  	v0 =	vadd.f32 v20, v0;
	v13 =	vld [tilespmem:s26+$0x70]  }
0x12a: {  	v1 =	vadd.f32 v21, v1;
	v20 =	vadd.f32 v33, v32;
	v21 =	vmul.f32 v11, v11;
	v32 =	vld [tilespmem:s26+$0x80]  }
0x12b: {  	v0 =	vadd.f32 v22, v0;
	v22 =	vld [tilespmem:s26+$0x90]  }
0x12c: {  	v1 =	vadd.f32 v23, v1;
	v20 =	vadd.f32 v21, v20;
	v21 =	vmul.f32 v12, v12  }
0x12d: {  	v0 =	vadd.f32 v27, v0  }
0x12e: {  	v1 =	vadd.f32 v28, v1;
	v20 =	vadd.f32 v21, v20;
	v21 =	vmul.f32 v13, v13  }
0x12f: {  	v0 =	vadd.f32 v32, v0;
	v23 =	vld [tilespmem:s26+$0xA0]  }
0x130: {  	v20 =	vadd.f32 v21, v20;
	v21 =	vmul.f32 v32, v32;
	v1 =	vadd.f32 v22, v1  }
0x131: {  	v7 =	vadd.f32 v17, v7;
	v6 =	vadd.f32 v18, v6;
	v17 =	vld [tilespmem:s26+$0xB0]  }
0x132: {  	v5 =	vadd.f32 v19, v5;
	v19 =	vmul.f32 v22, v22;
	v18 =	vadd.f32 v21, v20  }
0x133: {  	v7 =	vadd.f32 v24, v7;
	v6 =	vadd.f32 v25, v6;
	v20 =	vld [tilespmem:s26+$0xC0]  }
0x134: {  	v5 =	vadd.f32 v26, v5;
	v19 =	vadd.f32 v19, v18;
	v21 =	vmul.f32 v23, v23  }
0x135: {  	v7 =	vadd.f32 v29, v7;
	v6 =	vadd.f32 v30, v6;
	v18 =	vld [tilespmem:s26+$0xD0]  }
.Ltmp3:
0x136: {  	v5 =	vadd.f32 v31, v5;
	v21 =	vadd.f32 v21, v19;
	v22 =	vmul.f32 v17, v17;
	(pc) =	sbr.rel @p1 .LBB2_5-.Ltmp3, $4  }
0x137: {  	v7 =	vadd.f32 v23, v7;
	v6 =	vadd.f32 v17, v6;
	v19 =	vld [tilespmem:s26+$0xE0]  }
0x138: {  	v21 =	vadd.f32 v22, v21;
	v5 =	vadd.f32 v20, v5;
	v20 =	vmul.f32 v20, v20  }
0x139: {  	v15 =	vadd.f32 v15, v9;
	v17 =	vadd.f32 v14, v8;
	v14 =	vld [tilespmem:s26+$0xF0]  }
0x13a: {  	v10 =	vadd.f32 v16, v10;
	s26 =	sadd.s32 $0x200, s26;
	v8 =	vadd.f32 v20, v21;
	v9 =	vmul.f32 v18, v18  }
0x13b: {  	v0 =	vmul.f32 v0, v0;
	v1 =	vmul.f32 v1, v1;
	_ =	sdelay $0x1  }
0x13c: {  	v2 =	vadd.f32 v2, v17;
	v0 =	vadd.f32 v1, v0;
	v1 =	vmul.f32 v7, v7  }
0x13d: {  	v3 =	vadd.f32 v3, v15  }
0x13e: {  	v2 =	vadd.f32 v11, v2;
	v0 =	vadd.f32 v1, v0;
	v1 =	vmul.f32 v6, v6  }
0x13f: {  	v4 =	vadd.f32 v4, v10;
	v3 =	vadd.f32 v12, v3  }
0x140: {  	v2 =	vadd.f32 v18, v2;
	v0 =	vadd.f32 v1, v0;
	v1 =	vmul.f32 v5, v5  }
0x141: {  	v4 =	vadd.f32 v13, v4  }
0x142: {  	v3 =	vadd.f32 v19, v3;
	v0 =	vadd.f32 v1, v0;
	v1 =	vmul.f32 v2, v2  }
0x143: {  	v5 =	vmul.f32 v19, v19;
	v2 =	vadd.f32 v9, v8  }
0x144: {  	v4 =	vadd.f32 v14, v4;
	v0 =	vadd.f32 v1, v0;
	v1 =	vmul.f32 v3, v3  }
0x145: {  	v2 =	vadd.f32 v5, v2  }
0x146: {  	v3 =	vmul.f32 v14, v14;
	v0 =	vadd.f32 v1, v0;
	v1 =	vmul.f32 v4, v4;
	_ =	sdelay $0x1  }
0x147: {  	v2 =	vadd.f32 v3, v2;
	v0 =	vadd.f32 v1, v0;
	_ =	sdelay $0x1  }
0x148: {  	v0 =	vsub.f32 v0, v2;
	_ =	sdelay $0x1  }
0x149: {  	v0 =	vmul.f32 $5.000000000e-01, v0;
	_ =	sdelay $0x1  }
0x14a: {  	(xrf2) =	vadd.scan.msk.f32 $0xffff, v0;
	_ =	sdelay $0x1  }
0x14b: {  	s25 =	sor.u32 $0x1, s23  }
0x14c: {  	v0 =	vmov s25  }
0x14d: {  	v0 =	vand.u32 $0xFFFFFFFD, v0  }
0x14e: {  	v0 =	vbroadcast v0, $0x0;
	_ =	sdelay $0x4  }
0x14f: {  	v1, _, _ =	vpop (xrf2)  }
0x150: {  	s26 =	simm.s32 @!p0 $0x64;
	s28 =	simm.s32 @!p0 $0x13400;
	s25 =	sadd.s32 @!p0 $0x280, s24;
	[tilespmem:v0+s17+$0x0] =	vst.idx.msk vm0, v1  }
0x151: {  	[tilespmem:s28], [sflag:$0x2] =	stream.indirect.gather @!p0 [hbm4b:s3+s26], $0x80, s25, s26, $0xb8;
	[tilespmem:$0x1D200] =	vst v63  }
0x152: {  	_ =	swait.ge [sflag:s19], $0x3200  }
0x153: {  	[sflag:s19] =	ssyncset.done $0x0  }
0x154: {  	s31 =	simm.s32 $0x16900;
	[sflag:s19] =	ssyncadd.s32 $0xFFFFCE00  }
0x155: {  	v0 =	vld [tilespmem:s31+$0xFFFFFF00];
	_ =	sdelay $0x1  }
0x156: {  	v1 =	vld [tilespmem:s31+$0xFFFFFF10];
	_ =	sdelay $0x1  }
0x157: {  	v5 =	vld [tilespmem:s31+$0xFFFFFF20]  }
0x158: {  	v2 =	vmul.f32 v0, v0  }
0x159: {  	v8 =	vimm.f32 $0.0e+00;
	v6 =	vld [tilespmem:s31+$0xFFFFFF30]  }
0x15a: {  	v3 =	vmul.f32 v1, v1;
	v2 =	vadd.f32 v2, v8  }
0x15b: {  	v7 =	vld [tilespmem:s31+$0xFFFFFF40]  }
0x15c: {  	v2 =	vadd.f32 v3, v2;
	v3 =	vmul.f32 v5, v5  }
0x15d: {  	v9 =	vld [tilespmem:s31+$0xFFFFFF50]  }
0x15e: {  	v2 =	vadd.f32 v3, v2;
	v3 =	vmul.f32 v6, v6  }
0x15f: {  	v10 =	vld [tilespmem:s31+$0xFFFFFF60]  }
0x160: {  	v2 =	vadd.f32 v3, v2;
	v3 =	vmul.f32 v7, v7  }
0x161: {  	v16 =	vld [tilespmem:s31+$0xFFFFFF70]  }
0x162: {  	v2 =	vadd.f32 v3, v2;
	v3 =	vmul.f32 v9, v9  }
0x163: {  	v14 =	vld [tilespmem:s31+$0xFFFFFF80]  }
0x164: {  	v2 =	vadd.f32 v3, v2;
	v3 =	vmul.f32 v10, v10  }
0x165: {  	v15 =	vld [tilespmem:s31+$0xFFFFFF90]  }
0x166: {  	v2 =	vadd.f32 v3, v2;
	v3 =	vmul.f32 v16, v16  }
0x167: {  	v17 =	vld [tilespmem:s31+$0xFFFFFFA0]  }
0x168: {  	v2 =	vadd.f32 v3, v2;
	v3 =	vmul.f32 v14, v14  }
0x169: {  	v18 =	vld [tilespmem:s31+$0xFFFFFFB0]  }
0x16a: {  	v2 =	vadd.f32 v3, v2;
	v3 =	vmul.f32 v15, v15  }
0x16b: {  	v19 =	vld [tilespmem:s31+$0xFFFFFFC0]  }
0x16c: {  	v4 =	vmul.f32 v17, v17;
	v3 =	vadd.f32 v3, v2  }
0x16d: {  	v2 =	vld [tilespmem:s31+$0xFFFFFFD0]  }
0x16e: {  	v11 =	vmul.f32 v18, v18;
	v4 =	vadd.f32 v4, v3  }
0x16f: {  	v3 =	vld [tilespmem:s31+$0xFFFFFFE0]  }
0x170: {  	v12 =	vmul.f32 v19, v19;
	v11 =	vadd.f32 v11, v4  }
0x171: {  	v4 =	vld [tilespmem:s31+$0xFFFFFFF0]  }
0x172: {  	v11 =	vadd.f32 v12, v11;
	v12 =	vmul.f32 v2, v2  }
0x173: {  	v20 =	vld [tilespmem:s31+$0x0]  }
0x174: {  	v11 =	vadd.f32 v12, v11;
	v12 =	vmul.f32 v3, v3  }
0x175: {  	v21 =	vld [tilespmem:s31+$0x10]  }
0x176: {  	v11 =	vadd.f32 v12, v11;
	v12 =	vmul.f32 v4, v4  }
0x177: {  	v22 =	vld [tilespmem:s31+$0x20]  }
0x178: {  	v11 =	vadd.f32 v12, v11;
	v12 =	vmul.f32 v20, v20  }
0x179: {  	v23 =	vld [tilespmem:s31+$0x30]  }
0x17a: {  	v11 =	vadd.f32 v12, v11;
	v12 =	vmul.f32 v21, v21  }
0x17b: {  	v24 =	vld [tilespmem:s31+$0x40]  }
0x17c: {  	v13 =	vmul.f32 v22, v22;
	v12 =	vadd.f32 v12, v11  }
0x17d: {  	v11 =	vld [tilespmem:s31+$0x50]  }
0x17e: {  	v25 =	vmul.f32 v23, v23;
	v13 =	vadd.f32 v13, v12  }
0x17f: {  	v12 =	vld [tilespmem:s31+$0x60]  }
0x180: {  	v26 =	vmul.f32 v24, v24;
	v25 =	vadd.f32 v25, v13  }
0x181: {  	v0 =	vadd.f32 v0, v8;
	v13 =	vld [tilespmem:s31+$0x70]  }
0x182: {  	v1 =	vadd.f32 v1, v8;
	v59 =	vmul.f32 v11, v11;
	v25 =	vadd.f32 v26, v25  }
0x183: {  	v27 =	vld [tilespmem:s31+$0x80];
	v0 =	vadd.f32 v14, v0  }
0x184: {  	v1 =	vadd.f32 v15, v1;
	v60 =	vmul.f32 v12, v12;
	v15 =	vadd.f32 v59, v25  }
0x185: {  	v14 =	vld [tilespmem:s31+$0x90]  }
0x186: {  	v0 =	vadd.f32 v20, v0;
	v20 =	vmul.f32 v13, v13;
	v15 =	vadd.f32 v60, v15  }
0x187: {  	v61 =	vld [tilespmem:s31+$0xA0];
	v1 =	vadd.f32 v21, v1;
	v5 =	vadd.f32 v5, v8  }
0x188: {  	v6 =	vadd.f32 v6, v8;
	v15 =	vadd.f32 v20, v15;
	v20 =	vmul.f32 v27, v27  }
0x189: {  	v62 =	vld [tilespmem:s31+$0xB0];
	v5 =	vadd.f32 v17, v5;
	v7 =	vadd.f32 v7, v8  }
0x18a: {  	v17 =	vld [tilespmem:s31+$0xC0];
	v1 =	vadd.f32 v14, v1;
	v14 =	vmul.f32 v14, v14;
	v15 =	vadd.f32 v20, v15  }
0x18b: {  	v0 =	vadd.f32 v27, v0;
	v7 =	vadd.f32 v19, v7  }
0x18c: {  	v6 =	vadd.f32 v18, v6;
	v14 =	vadd.f32 v14, v15;
	v15 =	vmul.f32 v61, v61  }
0x18d: {  	v5 =	vadd.f32 v22, v5;
	v18 =	vld [tilespmem:s31+$0xD0];
	v19 =	vadd.f32 v24, v7  }
0x18e: {  	v6 =	vadd.f32 v23, v6;
	v14 =	vadd.f32 v15, v14;
	v15 =	vmul.f32 v62, v62  }
0x18f: {  	v7 =	vadd.f32 v61, v5;
	v5 =	vadd.f32 v17, v19;
	v19 =	vld [tilespmem:s31+$0xE0]  }
0x190: {  	v63 =	vmul.f32 v17, v17;
	v6 =	vadd.f32 v62, v6;
	v20 =	vadd.f32 v15, v14  }
0x191: {  	v17 =	vadd.f32 v9, v8;
	v15 =	vadd.f32 v10, v8;
	v14 =	vld [tilespmem:s31+$0xF0]  }
0x192: {  	s25 =	simm.s32 $0x0;
	s26 =	simm.s32 $0x16B00;
	v9 =	vmul.f32 v18, v18;
	v10 =	vadd.f32 v16, v8;
	v8 =	vadd.f32 v63, v20  }
.LBB2_7:
0x193: {  	v20 =	vld [tilespmem:s26+$0xFFFFFF00];
	s25 =	sadd.s32 $0x4, s25;
	v2 =	vadd.f32 v2, v17;
	v3 =	vadd.f32 v3, v15  }
0x194: {  	p1 =	slt.u32 s25, $0x60;
	v4 =	vadd.f32 v4, v10;
	v8 =	vadd.f32 v9, v8;
	v9 =	vmul.f32 v19, v19  }
0x195: {  	v21 =	vld [tilespmem:s26+$0xFFFFFF10];
	v2 =	vadd.f32 v11, v2;
	v3 =	vadd.f32 v12, v3  }
0x196: {  	v4 =	vadd.f32 v13, v4;
	v11 =	vadd.f32 v9, v8;
	v12 =	vmul.f32 v14, v14  }
0x197: {  	v17 =	vld [tilespmem:s26+$0xFFFFFF20];
	v8 =	vadd.f32 v18, v2;
	v9 =	vadd.f32 v19, v3  }
0x198: {  	v2 =	vmul.f32 v20, v20;
	v10 =	vadd.f32 v14, v4;
	v3 =	vadd.f32 v12, v11  }
0x199: {  	v18 =	vld [tilespmem:s26+$0xFFFFFF30]  }
0x19a: {  	v2 =	vadd.f32 v2, v3;
	v3 =	vmul.f32 v21, v21  }
0x19b: {  	v19 =	vld [tilespmem:s26+$0xFFFFFF40]  }
0x19c: {  	v2 =	vadd.f32 v3, v2;
	v3 =	vmul.f32 v17, v17  }
0x19d: {  	v14 =	vld [tilespmem:s26+$0xFFFFFF50]  }
0x19e: {  	v2 =	vadd.f32 v3, v2;
	v3 =	vmul.f32 v18, v18  }
0x19f: {  	v15 =	vld [tilespmem:s26+$0xFFFFFF60]  }
0x1a0: {  	v2 =	vadd.f32 v3, v2;
	v3 =	vmul.f32 v19, v19  }
0x1a1: {  	v16 =	vld [tilespmem:s26+$0xFFFFFF70]  }
0x1a2: {  	v2 =	vadd.f32 v3, v2;
	v3 =	vmul.f32 v14, v14  }
0x1a3: {  	v22 =	vld [tilespmem:s26+$0xFFFFFF80]  }
0x1a4: {  	v2 =	vadd.f32 v3, v2;
	v3 =	vmul.f32 v15, v15  }
0x1a5: {  	v23 =	vld [tilespmem:s26+$0xFFFFFF90]  }
0x1a6: {  	v2 =	vadd.f32 v3, v2;
	v3 =	vmul.f32 v16, v16  }
0x1a7: {  	v24 =	vld [tilespmem:s26+$0xFFFFFFA0]  }
0x1a8: {  	v2 =	vadd.f32 v3, v2;
	v3 =	vmul.f32 v22, v22  }
0x1a9: {  	v25 =	vld [tilespmem:s26+$0xFFFFFFB0]  }
0x1aa: {  	v2 =	vadd.f32 v3, v2;
	v3 =	vmul.f32 v23, v23  }
0x1ab: {  	v26 =	vld [tilespmem:s26+$0xFFFFFFC0]  }
0x1ac: {  	v3 =	vadd.f32 v3, v2;
	v4 =	vmul.f32 v24, v24  }
0x1ad: {  	v2 =	vld [tilespmem:s26+$0xFFFFFFD0]  }
0x1ae: {  	v4 =	vadd.f32 v4, v3;
	v11 =	vmul.f32 v25, v25  }
0x1af: {  	v3 =	vld [tilespmem:s26+$0xFFFFFFE0]  }
0x1b0: {  	v11 =	vadd.f32 v11, v4;
	v12 =	vmul.f32 v26, v26  }
0x1b1: {  	v4 =	vld [tilespmem:s26+$0xFFFFFFF0]  }
0x1b2: {  	v11 =	vadd.f32 v12, v11;
	v12 =	vmul.f32 v2, v2  }
0x1b3: {  	v27 =	vld [tilespmem:s26+$0x0]  }
0x1b4: {  	v11 =	vadd.f32 v12, v11;
	v12 =	vmul.f32 v3, v3  }
0x1b5: {  	v28 =	vld [tilespmem:s26+$0x10]  }
0x1b6: {  	v11 =	vadd.f32 v12, v11;
	v12 =	vmul.f32 v4, v4  }
0x1b7: {  	v29 =	vld [tilespmem:s26+$0x20]  }
0x1b8: {  	v11 =	vadd.f32 v12, v11;
	v12 =	vmul.f32 v27, v27  }
0x1b9: {  	v30 =	vld [tilespmem:s26+$0x30]  }
0x1ba: {  	v11 =	vadd.f32 v12, v11;
	v12 =	vmul.f32 v28, v28  }
0x1bb: {  	v31 =	vld [tilespmem:s26+$0x40]  }
0x1bc: {  	v12 =	vadd.f32 v12, v11;
	v13 =	vmul.f32 v29, v29  }
0x1bd: {  	v11 =	vld [tilespmem:s26+$0x50]  }
0x1be: {  	v13 =	vadd.f32 v13, v12;
	v32 =	vmul.f32 v30, v30  }
0x1bf: {  	v12 =	vld [tilespmem:s26+$0x60]  }
0x1c0: {  	v32 =	vadd.f32 v32, v13;
	v33 =	vmul.f32 v31, v31  }
0x1c1: {  	v0 =	vadd.f32 v20, v0;
	v13 =	vld [tilespmem:s26+$0x70]  }
0x1c2: {  	v1 =	vadd.f32 v21, v1;
	v20 =	vadd.f32 v33, v32;
	v21 =	vmul.f32 v11, v11;
	v32 =	vld [tilespmem:s26+$0x80]  }
0x1c3: {  	v0 =	vadd.f32 v22, v0;
	v22 =	vld [tilespmem:s26+$0x90]  }
0x1c4: {  	v1 =	vadd.f32 v23, v1;
	v20 =	vadd.f32 v21, v20;
	v21 =	vmul.f32 v12, v12  }
0x1c5: {  	v0 =	vadd.f32 v27, v0  }
0x1c6: {  	v1 =	vadd.f32 v28, v1;
	v20 =	vadd.f32 v21, v20;
	v21 =	vmul.f32 v13, v13  }
0x1c7: {  	v0 =	vadd.f32 v32, v0;
	v23 =	vld [tilespmem:s26+$0xA0]  }
0x1c8: {  	v20 =	vadd.f32 v21, v20;
	v21 =	vmul.f32 v32, v32;
	v1 =	vadd.f32 v22, v1  }
0x1c9: {  	v7 =	vadd.f32 v17, v7;
	v6 =	vadd.f32 v18, v6;
	v17 =	vld [tilespmem:s26+$0xB0]  }
0x1ca: {  	v5 =	vadd.f32 v19, v5;
	v19 =	vmul.f32 v22, v22;
	v18 =	vadd.f32 v21, v20  }
0x1cb: {  	v7 =	vadd.f32 v24, v7;
	v6 =	vadd.f32 v25, v6;
	v20 =	vld [tilespmem:s26+$0xC0]  }
0x1cc: {  	v5 =	vadd.f32 v26, v5;
	v19 =	vadd.f32 v19, v18;
	v21 =	vmul.f32 v23, v23  }
0x1cd: {  	v7 =	vadd.f32 v29, v7;
	v6 =	vadd.f32 v30, v6;
	v18 =	vld [tilespmem:s26+$0xD0]  }
.Ltmp4:
0x1ce: {  	v5 =	vadd.f32 v31, v5;
	v21 =	vadd.f32 v21, v19;
	v22 =	vmul.f32 v17, v17;
	(pc) =	sbr.rel @p1 .LBB2_7-.Ltmp4, $4  }
0x1cf: {  	v7 =	vadd.f32 v23, v7;
	v6 =	vadd.f32 v17, v6;
	v19 =	vld [tilespmem:s26+$0xE0]  }
0x1d0: {  	v21 =	vadd.f32 v22, v21;
	v5 =	vadd.f32 v20, v5;
	v20 =	vmul.f32 v20, v20  }
0x1d1: {  	v15 =	vadd.f32 v15, v9;
	v17 =	vadd.f32 v14, v8;
	v14 =	vld [tilespmem:s26+$0xF0]  }
0x1d2: {  	v10 =	vadd.f32 v16, v10;
	s26 =	sadd.s32 $0x200, s26;
	v8 =	vadd.f32 v20, v21;
	v9 =	vmul.f32 v18, v18  }
0x1d3: {  	v0 =	vmul.f32 v0, v0;
	v1 =	vmul.f32 v1, v1;
	_ =	sdelay $0x1  }
0x1d4: {  	v2 =	vadd.f32 v2, v17;
	v0 =	vadd.f32 v1, v0;
	v1 =	vmul.f32 v7, v7  }
0x1d5: {  	v3 =	vadd.f32 v3, v15  }
0x1d6: {  	v2 =	vadd.f32 v11, v2;
	v0 =	vadd.f32 v1, v0;
	v1 =	vmul.f32 v6, v6  }
0x1d7: {  	v4 =	vadd.f32 v4, v10;
	v3 =	vadd.f32 v12, v3  }
0x1d8: {  	v2 =	vadd.f32 v18, v2;
	v0 =	vadd.f32 v1, v0;
	v1 =	vmul.f32 v5, v5  }
0x1d9: {  	v4 =	vadd.f32 v13, v4  }
0x1da: {  	v3 =	vadd.f32 v19, v3;
	v0 =	vadd.f32 v1, v0;
	v1 =	vmul.f32 v2, v2  }
0x1db: {  	v5 =	vmul.f32 v19, v19;
	v2 =	vadd.f32 v9, v8  }
0x1dc: {  	v4 =	vadd.f32 v14, v4;
	v0 =	vadd.f32 v1, v0;
	v1 =	vmul.f32 v3, v3  }
0x1dd: {  	v2 =	vadd.f32 v5, v2  }
0x1de: {  	v3 =	vmul.f32 v14, v14;
	v0 =	vadd.f32 v1, v0;
	v1 =	vmul.f32 v4, v4;
	_ =	sdelay $0x1  }
0x1df: {  	v2 =	vadd.f32 v3, v2;
	v0 =	vadd.f32 v1, v0;
	_ =	sdelay $0x1  }
0x1e0: {  	v0 =	vsub.f32 v0, v2;
	_ =	sdelay $0x1  }
0x1e1: {  	v0 =	vmul.f32 $5.000000000e-01, v0;
	_ =	sdelay $0x1  }
0x1e2: {  	(xrf2) =	vadd.scan.msk.f32 $0xffff, v0;
	_ =	sdelay $0x1  }
0x1e3: {  	s25 =	sor.u32 $0x2, s23  }
0x1e4: {  	v0 =	vmov s25  }
0x1e5: {  	v0 =	vand.u32 $0xFFFFFFFE, v0  }
0x1e6: {  	v0 =	vbroadcast v0, $0x0;
	_ =	sdelay $0x4  }
0x1e7: {  	v1, _, _ =	vpop (xrf2)  }
0x1e8: {  	s24 =	sadd.s32 @!p0 $0x300, s24;
	s26 =	simm.s32 @!p0 $0x16800;
	s25 =	simm.s32 @!p0 $0x64;
	[tilespmem:v0+s17+$0x0] =	vst.idx.msk vm0, v1  }
0x1e9: {  	[tilespmem:s26], [sflag:$0x3] =	stream.indirect.gather @!p0 [hbm4b:s3+s25], $0x80, s24, s25, $0xb8;
	[tilespmem:$0x1D200] =	vst v63  }
0x1ea: {  	_ =	swait.ge [sflag:s20], $0x3200  }
0x1eb: {  	[sflag:s20] =	ssyncset.done $0x0  }
0x1ec: {  	s31 =	simm.s32 $0x19D00;
	[sflag:s20] =	ssyncadd.s32 $0xFFFFCE00  }
0x1ed: {  	v0 =	vld [tilespmem:s31+$0xFFFFFF00];
	_ =	sdelay $0x1  }
0x1ee: {  	v1 =	vld [tilespmem:s31+$0xFFFFFF10];
	_ =	sdelay $0x1  }
0x1ef: {  	v5 =	vld [tilespmem:s31+$0xFFFFFF20]  }
0x1f0: {  	v2 =	vmul.f32 v0, v0  }
0x1f1: {  	v8 =	vimm.f32 $0.0e+00;
	v6 =	vld [tilespmem:s31+$0xFFFFFF30]  }
0x1f2: {  	v3 =	vmul.f32 v1, v1;
	v2 =	vadd.f32 v2, v8  }
0x1f3: {  	v7 =	vld [tilespmem:s31+$0xFFFFFF40]  }
0x1f4: {  	v2 =	vadd.f32 v3, v2;
	v3 =	vmul.f32 v5, v5  }
0x1f5: {  	v9 =	vld [tilespmem:s31+$0xFFFFFF50]  }
0x1f6: {  	v2 =	vadd.f32 v3, v2;
	v3 =	vmul.f32 v6, v6  }
0x1f7: {  	v10 =	vld [tilespmem:s31+$0xFFFFFF60]  }
0x1f8: {  	v2 =	vadd.f32 v3, v2;
	v3 =	vmul.f32 v7, v7  }
0x1f9: {  	v16 =	vld [tilespmem:s31+$0xFFFFFF70]  }
0x1fa: {  	v2 =	vadd.f32 v3, v2;
	v3 =	vmul.f32 v9, v9  }
0x1fb: {  	v14 =	vld [tilespmem:s31+$0xFFFFFF80]  }
0x1fc: {  	v2 =	vadd.f32 v3, v2;
	v3 =	vmul.f32 v10, v10  }
0x1fd: {  	v15 =	vld [tilespmem:s31+$0xFFFFFF90]  }
0x1fe: {  	v2 =	vadd.f32 v3, v2;
	v3 =	vmul.f32 v16, v16  }
0x1ff: {  	v17 =	vld [tilespmem:s31+$0xFFFFFFA0]  }
0x200: {  	v2 =	vadd.f32 v3, v2;
	v3 =	vmul.f32 v14, v14  }
0x201: {  	v18 =	vld [tilespmem:s31+$0xFFFFFFB0]  }
0x202: {  	v2 =	vadd.f32 v3, v2;
	v3 =	vmul.f32 v15, v15  }
0x203: {  	v19 =	vld [tilespmem:s31+$0xFFFFFFC0]  }
0x204: {  	v4 =	vmul.f32 v17, v17;
	v3 =	vadd.f32 v3, v2  }
0x205: {  	v2 =	vld [tilespmem:s31+$0xFFFFFFD0]  }
0x206: {  	v11 =	vmul.f32 v18, v18;
	v4 =	vadd.f32 v4, v3  }
0x207: {  	v3 =	vld [tilespmem:s31+$0xFFFFFFE0]  }
0x208: {  	v12 =	vmul.f32 v19, v19;
	v11 =	vadd.f32 v11, v4  }
0x209: {  	v4 =	vld [tilespmem:s31+$0xFFFFFFF0]  }
0x20a: {  	v11 =	vadd.f32 v12, v11;
	v12 =	vmul.f32 v2, v2  }
0x20b: {  	v20 =	vld [tilespmem:s31+$0x0]  }
0x20c: {  	v11 =	vadd.f32 v12, v11;
	v12 =	vmul.f32 v3, v3  }
0x20d: {  	v21 =	vld [tilespmem:s31+$0x10]  }
0x20e: {  	v11 =	vadd.f32 v12, v11;
	v12 =	vmul.f32 v4, v4  }
0x20f: {  	v22 =	vld [tilespmem:s31+$0x20]  }
0x210: {  	v11 =	vadd.f32 v12, v11;
	v12 =	vmul.f32 v20, v20  }
0x211: {  	v23 =	vld [tilespmem:s31+$0x30]  }
0x212: {  	v11 =	vadd.f32 v12, v11;
	v12 =	vmul.f32 v21, v21  }
0x213: {  	v24 =	vld [tilespmem:s31+$0x40]  }
0x214: {  	v13 =	vmul.f32 v22, v22;
	v12 =	vadd.f32 v12, v11  }
0x215: {  	v11 =	vld [tilespmem:s31+$0x50]  }
0x216: {  	v25 =	vmul.f32 v23, v23;
	v13 =	vadd.f32 v13, v12  }
0x217: {  	v12 =	vld [tilespmem:s31+$0x60]  }
0x218: {  	v26 =	vmul.f32 v24, v24;
	v25 =	vadd.f32 v25, v13  }
0x219: {  	v0 =	vadd.f32 v0, v8;
	v13 =	vld [tilespmem:s31+$0x70]  }
0x21a: {  	v1 =	vadd.f32 v1, v8;
	v59 =	vmul.f32 v11, v11;
	v25 =	vadd.f32 v26, v25  }
0x21b: {  	v27 =	vld [tilespmem:s31+$0x80];
	v0 =	vadd.f32 v14, v0  }
0x21c: {  	v1 =	vadd.f32 v15, v1;
	v60 =	vmul.f32 v12, v12;
	v15 =	vadd.f32 v59, v25  }
0x21d: {  	v14 =	vld [tilespmem:s31+$0x90]  }
0x21e: {  	v0 =	vadd.f32 v20, v0;
	v20 =	vmul.f32 v13, v13;
	v15 =	vadd.f32 v60, v15  }
0x21f: {  	v61 =	vld [tilespmem:s31+$0xA0];
	v1 =	vadd.f32 v21, v1;
	v5 =	vadd.f32 v5, v8  }
0x220: {  	v6 =	vadd.f32 v6, v8;
	v15 =	vadd.f32 v20, v15;
	v20 =	vmul.f32 v27, v27  }
0x221: {  	v62 =	vld [tilespmem:s31+$0xB0];
	v5 =	vadd.f32 v17, v5;
	v7 =	vadd.f32 v7, v8  }
0x222: {  	v17 =	vld [tilespmem:s31+$0xC0];
	v1 =	vadd.f32 v14, v1;
	v14 =	vmul.f32 v14, v14;
	v15 =	vadd.f32 v20, v15  }
0x223: {  	v0 =	vadd.f32 v27, v0;
	v7 =	vadd.f32 v19, v7  }
0x224: {  	v6 =	vadd.f32 v18, v6;
	v14 =	vadd.f32 v14, v15;
	v15 =	vmul.f32 v61, v61  }
0x225: {  	v5 =	vadd.f32 v22, v5;
	v18 =	vld [tilespmem:s31+$0xD0];
	v19 =	vadd.f32 v24, v7  }
0x226: {  	v6 =	vadd.f32 v23, v6;
	v14 =	vadd.f32 v15, v14;
	v15 =	vmul.f32 v62, v62  }
0x227: {  	v7 =	vadd.f32 v61, v5;
	v5 =	vadd.f32 v17, v19;
	v19 =	vld [tilespmem:s31+$0xE0]  }
0x228: {  	v63 =	vmul.f32 v17, v17;
	v6 =	vadd.f32 v62, v6;
	v20 =	vadd.f32 v15, v14  }
0x229: {  	v17 =	vadd.f32 v9, v8;
	v15 =	vadd.f32 v10, v8;
	v14 =	vld [tilespmem:s31+$0xF0]  }
0x22a: {  	s24 =	simm.s32 $0x0;
	s25 =	simm.s32 $0x19F00;
	v9 =	vmul.f32 v18, v18;
	v10 =	vadd.f32 v16, v8;
	v8 =	vadd.f32 v63, v20  }
.LBB2_9:
0x22b: {  	v20 =	vld [tilespmem:s25+$0xFFFFFF00];
	s24 =	sadd.s32 $0x4, s24;
	v2 =	vadd.f32 v2, v17;
	v3 =	vadd.f32 v3, v15  }
0x22c: {  	p1 =	slt.u32 s24, $0x60;
	v4 =	vadd.f32 v4, v10;
	v8 =	vadd.f32 v9, v8;
	v9 =	vmul.f32 v19, v19  }
0x22d: {  	v21 =	vld [tilespmem:s25+$0xFFFFFF10];
	v2 =	vadd.f32 v11, v2;
	v3 =	vadd.f32 v12, v3  }
0x22e: {  	v4 =	vadd.f32 v13, v4;
	v11 =	vadd.f32 v9, v8;
	v12 =	vmul.f32 v14, v14  }
0x22f: {  	v17 =	vld [tilespmem:s25+$0xFFFFFF20];
	v8 =	vadd.f32 v18, v2;
	v9 =	vadd.f32 v19, v3  }
0x230: {  	v2 =	vmul.f32 v20, v20;
	v10 =	vadd.f32 v14, v4;
	v3 =	vadd.f32 v12, v11  }
0x231: {  	v18 =	vld [tilespmem:s25+$0xFFFFFF30]  }
0x232: {  	v2 =	vadd.f32 v2, v3;
	v3 =	vmul.f32 v21, v21  }
0x233: {  	v19 =	vld [tilespmem:s25+$0xFFFFFF40]  }
0x234: {  	v2 =	vadd.f32 v3, v2;
	v3 =	vmul.f32 v17, v17  }
0x235: {  	v14 =	vld [tilespmem:s25+$0xFFFFFF50]  }
0x236: {  	v2 =	vadd.f32 v3, v2;
	v3 =	vmul.f32 v18, v18  }
0x237: {  	v15 =	vld [tilespmem:s25+$0xFFFFFF60]  }
0x238: {  	v2 =	vadd.f32 v3, v2;
	v3 =	vmul.f32 v19, v19  }
0x239: {  	v16 =	vld [tilespmem:s25+$0xFFFFFF70]  }
0x23a: {  	v2 =	vadd.f32 v3, v2;
	v3 =	vmul.f32 v14, v14  }
0x23b: {  	v22 =	vld [tilespmem:s25+$0xFFFFFF80]  }
0x23c: {  	v2 =	vadd.f32 v3, v2;
	v3 =	vmul.f32 v15, v15  }
0x23d: {  	v23 =	vld [tilespmem:s25+$0xFFFFFF90]  }
0x23e: {  	v2 =	vadd.f32 v3, v2;
	v3 =	vmul.f32 v16, v16  }
0x23f: {  	v24 =	vld [tilespmem:s25+$0xFFFFFFA0]  }
0x240: {  	v2 =	vadd.f32 v3, v2;
	v3 =	vmul.f32 v22, v22  }
0x241: {  	v25 =	vld [tilespmem:s25+$0xFFFFFFB0]  }
0x242: {  	v2 =	vadd.f32 v3, v2;
	v3 =	vmul.f32 v23, v23  }
0x243: {  	v26 =	vld [tilespmem:s25+$0xFFFFFFC0]  }
0x244: {  	v3 =	vadd.f32 v3, v2;
	v4 =	vmul.f32 v24, v24  }
0x245: {  	v2 =	vld [tilespmem:s25+$0xFFFFFFD0]  }
0x246: {  	v4 =	vadd.f32 v4, v3;
	v11 =	vmul.f32 v25, v25  }
0x247: {  	v3 =	vld [tilespmem:s25+$0xFFFFFFE0]  }
0x248: {  	v11 =	vadd.f32 v11, v4;
	v12 =	vmul.f32 v26, v26  }
0x249: {  	v4 =	vld [tilespmem:s25+$0xFFFFFFF0]  }
0x24a: {  	v11 =	vadd.f32 v12, v11;
	v12 =	vmul.f32 v2, v2  }
0x24b: {  	v27 =	vld [tilespmem:s25+$0x0]  }
0x24c: {  	v11 =	vadd.f32 v12, v11;
	v12 =	vmul.f32 v3, v3  }
0x24d: {  	v28 =	vld [tilespmem:s25+$0x10]  }
0x24e: {  	v11 =	vadd.f32 v12, v11;
	v12 =	vmul.f32 v4, v4  }
0x24f: {  	v29 =	vld [tilespmem:s25+$0x20]  }
0x250: {  	v11 =	vadd.f32 v12, v11;
	v12 =	vmul.f32 v27, v27  }
0x251: {  	v30 =	vld [tilespmem:s25+$0x30]  }
0x252: {  	v11 =	vadd.f32 v12, v11;
	v12 =	vmul.f32 v28, v28  }
0x253: {  	v31 =	vld [tilespmem:s25+$0x40]  }
0x254: {  	v12 =	vadd.f32 v12, v11;
	v13 =	vmul.f32 v29, v29  }
0x255: {  	v11 =	vld [tilespmem:s25+$0x50]  }
0x256: {  	v13 =	vadd.f32 v13, v12;
	v32 =	vmul.f32 v30, v30  }
0x257: {  	v12 =	vld [tilespmem:s25+$0x60]  }
0x258: {  	v32 =	vadd.f32 v32, v13;
	v33 =	vmul.f32 v31, v31  }
0x259: {  	v0 =	vadd.f32 v20, v0;
	v13 =	vld [tilespmem:s25+$0x70]  }
0x25a: {  	v1 =	vadd.f32 v21, v1;
	v20 =	vadd.f32 v33, v32;
	v21 =	vmul.f32 v11, v11;
	v32 =	vld [tilespmem:s25+$0x80]  }
0x25b: {  	v0 =	vadd.f32 v22, v0;
	v22 =	vld [tilespmem:s25+$0x90]  }
0x25c: {  	v1 =	vadd.f32 v23, v1;
	v20 =	vadd.f32 v21, v20;
	v21 =	vmul.f32 v12, v12  }
0x25d: {  	v0 =	vadd.f32 v27, v0  }
0x25e: {  	v1 =	vadd.f32 v28, v1;
	v20 =	vadd.f32 v21, v20;
	v21 =	vmul.f32 v13, v13  }
0x25f: {  	v0 =	vadd.f32 v32, v0;
	v23 =	vld [tilespmem:s25+$0xA0]  }
0x260: {  	v20 =	vadd.f32 v21, v20;
	v21 =	vmul.f32 v32, v32;
	v1 =	vadd.f32 v22, v1  }
0x261: {  	v7 =	vadd.f32 v17, v7;
	v6 =	vadd.f32 v18, v6;
	v17 =	vld [tilespmem:s25+$0xB0]  }
0x262: {  	v5 =	vadd.f32 v19, v5;
	v19 =	vmul.f32 v22, v22;
	v18 =	vadd.f32 v21, v20  }
0x263: {  	v7 =	vadd.f32 v24, v7;
	v6 =	vadd.f32 v25, v6;
	v20 =	vld [tilespmem:s25+$0xC0]  }
0x264: {  	v5 =	vadd.f32 v26, v5;
	v19 =	vadd.f32 v19, v18;
	v21 =	vmul.f32 v23, v23  }
0x265: {  	v7 =	vadd.f32 v29, v7;
	v6 =	vadd.f32 v30, v6;
	v18 =	vld [tilespmem:s25+$0xD0]  }
.Ltmp5:
0x266: {  	v5 =	vadd.f32 v31, v5;
	v21 =	vadd.f32 v21, v19;
	v22 =	vmul.f32 v17, v17;
	(pc) =	sbr.rel @p1 .LBB2_9-.Ltmp5, $4  }
0x267: {  	v7 =	vadd.f32 v23, v7;
	v6 =	vadd.f32 v17, v6;
	v19 =	vld [tilespmem:s25+$0xE0]  }
0x268: {  	v21 =	vadd.f32 v22, v21;
	v5 =	vadd.f32 v20, v5;
	v20 =	vmul.f32 v20, v20  }
0x269: {  	v15 =	vadd.f32 v15, v9;
	v17 =	vadd.f32 v14, v8;
	v14 =	vld [tilespmem:s25+$0xF0]  }
0x26a: {  	v10 =	vadd.f32 v16, v10;
	s25 =	sadd.s32 $0x200, s25;
	v8 =	vadd.f32 v20, v21;
	v9 =	vmul.f32 v18, v18  }
0x26b: {  	v0 =	vmul.f32 v0, v0;
	v1 =	vmul.f32 v1, v1;
	_ =	sdelay $0x1  }
0x26c: {  	v2 =	vadd.f32 v2, v17;
	v53 =	vmul.f32 v7, v7;
	v0 =	vadd.f32 v1, v0  }
0x26d: {  	v3 =	vadd.f32 v3, v15  }
0x26e: {  	v54 =	vmul.f32 v6, v6;
	v2 =	vadd.f32 v11, v2;
	v0 =	vadd.f32 v53, v0  }
0x26f: {  	v4 =	vadd.f32 v4, v10;
	v3 =	vadd.f32 v12, v3  }
0x270: {  	v55 =	vmul.f32 v5, v5;
	v2 =	vadd.f32 v18, v2;
	v0 =	vadd.f32 v54, v0  }
0x271: {  	v4 =	vadd.f32 v13, v4  }
0x272: {  	v3 =	vadd.f32 v19, v3;
	v56 =	vmul.f32 v2, v2;
	v0 =	vadd.f32 v55, v0  }
0x273: {  	v57 =	vadd.f32 v9, v8;
	v58 =	vmul.f32 v19, v19  }
0x274: {  	v4 =	vadd.f32 v14, v4;
	v59 =	vmul.f32 v3, v3;
	v0 =	vadd.f32 v56, v0  }
0x275: {  	v60 =	vmul.f32 v14, v14  }
0x276: {  	v2 =	vadd.f32 v58, v57;
	v61 =	vmul.f32 v4, v4;
	v0 =	vadd.f32 v59, v0;
	_ =	sdelay $0x1  }
0x277: {  	v2 =	vadd.f32 v60, v2;
	v0 =	vadd.f32 v61, v0;
	_ =	sdelay $0x1  }
0x278: {  	v0 =	vsub.f32 v0, v2;
	_ =	sdelay $0x1  }
0x279: {  	v0 =	vmul.f32 $5.000000000e-01, v0;
	_ =	sdelay $0x1  }
0x27a: {  	(xrf2) =	vadd.scan.msk.f32 $0xffff, v0;
	_ =	sdelay $0x4  }
0x27b: {  	s23 =	sor.u32 $0x3, s23  }
0x27c: {  	v62 =	vmov s23  }
.Ltmp6:
0x27d: {  	_ = 	snop;
	(pc) =	sbr.rel @p0 .LBB2_12-.Ltmp6, $3  }
0x27e: {  	_ =	sdelay $0x1  }
0x27f: {  	v63, _, _ =	vpop (xrf2)  }
0x280: {  	[tilespmem:v62+s17+$0x0] =	vst.idx.msk vm0, v63  }
.Ltmp7:
0x281: {  	(pc) =	sbr.rel .LBB2_2-.Ltmp7, $4  }
0x282: {  	s23 =	sshll.u32 s22, $0x9  }
0x283: {  	s23 =	sand.u32 $0x3FFFFE00, s23  }
0x284: {  	s22 =	sadd.s32 $0x1, s22;
	s23 =	sadd.s32 $0x380, s23  }
0x285: {  	[tilespmem:s15], [sflag:$0x4] =	stream.indirect.gather [hbm4b:s3+s8], $0x80, s23, s8, $0xb8;
	[tilespmem:$0x1D200] =	vst v63  }
.LBB2_13:
0x286: {  	_ =	sfence.sel $0x180000  }
0x287: {  	[bflag:$0x0] =	sbarrier.arrive $0xFFFF  }
0x288: {  	p0 =	sne.s32 s1, $0x0;
	_ =	strace $0x90000047  }
0x289: {  	s0 =	sadd.s32 @!p0 $0x100000, s0;
	[bflag:$0x2] =	sbarrier.arrive $0xFFFF  }
0x28a: {  	[sflag:s0] =	ssyncadd.tile.s32 @!p0 $0x1;
	_ =	shalt  }
.Lfunc_end2:
_tile_overlayer_lowered:
.L_overlay_start_2:
0x28b: {  	(tag) =	ssettag $0x2  }
0x28c: {  	s0 =	rddreg [dreg:$0x0];
	s2 =	stileid.u32  }
0x28d: {  	s1 =	rddreg [dreg:$0x1];
	p0 =	sne.s32 s2, $0x0  }
0x28e: {  	s3 =	rddreg [dreg:$0x2];
	[bflag:$0x3] =	sbarrier.arrive $0xFFFF;
	s2 =	simm.s32 @!p0 $0x1C05  }
0x28f: {  	[timem:s3], [sflag:s2] =	dma.local @!p0 [hbm:s0], s1  }
0x290: {  	s0 =	simm.s32 @!p0 $0x5  }
0x291: {  	_ =	swait.ge @!p0 [sflag:s0], s1  }
0x292: {  	s1 =	ssub.s32 @!p0 $0x0, s1;
	[sflag:s0] =	ssyncset.done @!p0 $0x0  }
0x293: {  	[sflag:s0] =	ssyncadd.s32 @!p0 s1  }
0x294: {  	[bflag:$0x3] =	sbarrier.arrive $0xFFFF  }
0x295: {  	_ =	shalt  }

</sc_bundles>
